<compile_context>
chip_gen: v7x
topology: tpu7x:2x2x1
jax: 0.10.2.dev20260603
libtpu: 0.0.44.dev20260713+nightly
codegen_flags: <defaults>
</compile_context>

<pallas_src>
import jax
import jax.numpy as jnp
from jax import lax
from jax.experimental import pallas as pl
from jax.experimental.pallas import tpu as pltpu
from jax.experimental.pallas import tpu_sc as plsc

_MAX_LEN = 200
_DIM = 64
_BATCH = 4096

_NC, _NS, _L = 2, 16, 16
_NW = _NC * _NS
_ROWS = _BATCH * _MAX_LEN
_RPW = _ROWS // _NW
_CHUNK = 128
_NCHUNK = _RPW // _CHUNK


def _pe_doubled():
    pos = jnp.arange(_MAX_LEN, dtype=jnp.float32).reshape(-1, 1)
    dim = jnp.arange(_DIM, dtype=jnp.float32).reshape(1, -1)
    phase = pos / (10000.0 ** (dim / _DIM))
    pe = jnp.where((jnp.arange(_DIM) % 2) == 0, jnp.sin(phase), jnp.cos(phase))
    pe = jnp.concatenate([pe, pe], axis=0)
    return jnp.pad(pe, ((0, 0), (0, _DIM)))


_NBUF = 4


def _body(tok_hbm, pe_hbm, table_hbm, out_hbm, idx_v, pe_sh, *rest):
    sid = lax.axis_index("s")
    wid = sid * _NC + lax.axis_index("c")
    chunk0 = wid * _NCHUNK
    row0 = wid * _RPW

    pltpu.sync_copy(tok_hbm.at[pl.ds(chunk0, _NCHUNK)], idx_v)

    @pl.when(sid == 0)
    def _():
        pltpu.sync_copy(pe_hbm, pe_sh)

    plsc.subcore_barrier()

    bufs = rest[:_NBUF]
    obufs = rest[_NBUF:_NBUF + 2]
    gsems = rest[_NBUF + 2:2 * _NBUF + 2]
    ssems = rest[2 * _NBUF + 2:2 * _NBUF + 4]

    def _pe_fill(c, b):
        pos0 = lax.rem(c * _CHUNK, _MAX_LEN)
        pltpu.sync_copy(pe_sh.at[pl.ds(pos0, _CHUNK)], bufs[b])

    def _gather_start(c, b):
        pltpu.async_copy(table_hbm.at[idx_v.at[c]], bufs[b], gsems[b], add=True)

    def _gather_wait(c, b):
        pltpu.make_async_copy(table_hbm.at[idx_v.at[c]], bufs[b], gsems[b]).wait()

    def _scatter_start(c, o):
        pltpu.async_copy(
            obufs[o], out_hbm.at[pl.ds(row0 + c * _CHUNK, _CHUNK)], ssems[o]
        )

    def _scatter_wait(c, o):
        pltpu.make_async_copy(
            obufs[o], out_hbm.at[pl.ds(row0 + c * _CHUNK, _CHUNK)], ssems[o]
        ).wait()

    def _copy_out(b, o):
        buf, ob = bufs[b], obufs[o]

        @plsc.parallel_loop(0, _CHUNK, unroll=8)
        def _(r):
            for j in range(_DIM // _L):
                sl = pl.ds(j * _L, _L)
                ob[r, sl] = buf[r, sl]

    for c in range(_NBUF - 1):
        _pe_fill(c, c)
        _gather_start(c, c)

    def outer(g, _):
        for b in range(_NBUF):
            c = g * _NBUF + b
            o = b % 2
            _gather_wait(c, b)

            @pl.when(c >= 2)
            def _():
                _scatter_wait(c - 2, o)

            _copy_out(b, o)
            _scatter_start(c, o)

            cn = c + (_NBUF - 1)
            bn = (b + _NBUF - 1) % _NBUF

            @pl.when(cn < _NCHUNK)
            def _():
                _pe_fill(cn, bn)
                _gather_start(cn, bn)

        return 0

    lax.fori_loop(0, _NCHUNK // _NBUF, outer, 0)

    _scatter_wait(_NCHUNK - 2, 0)
    _scatter_wait(_NCHUNK - 1, 1)


_mesh = plsc.VectorSubcoreMesh(core_axis_name="c", subcore_axis_name="s")

_sc_call = pl.kernel(
    _body,
    out_type=jax.ShapeDtypeStruct((_ROWS, _DIM), jnp.float32),
    mesh=_mesh,
    scratch_types=[
        pltpu.VMEM((_NCHUNK, _CHUNK), jnp.int32),
        pltpu.VMEM_SHARED((2 * _MAX_LEN, 2 * _DIM), jnp.float32),
        *([pltpu.VMEM((_CHUNK, 2 * _DIM), jnp.float32)] * _NBUF),
        *([pltpu.VMEM((_CHUNK, _DIM), jnp.float32)] * 2),
        *([pltpu.SemaphoreType.DMA] * _NBUF),
        *([pltpu.SemaphoreType.DMA] * 2),
    ],
    compiler_params=pltpu.CompilerParams(use_tc_tiling_on_sc=True),
)


def kernel(tokens, table):
    tok = tokens.astype(jnp.int32).reshape(_ROWS // _CHUNK, _CHUNK)
    pe = _pe_doubled()
    table_p = jnp.pad(table, ((0, 0), (0, _DIM)))
    out = _sc_call(tok, pe, table_p)
    return out.reshape(_BATCH, _MAX_LEN, _DIM)

# --- scband reference (transcript-rebuilt; emitter-appended) ---
"""Pipeline reference for scband-non-spiking-input-embedding-block-33200097198663 (READ-ONLY COPY).

The authoritative reference and input builder live on the scoring server;
editing this copy changes nothing except your own understanding.
"""

import jax, jax.numpy as jnp
import numpy as np

MAX_LEN = 200
EMBED_DIM = 64
VOCAB = 100000
BATCH = 4096


def position_encoding(seq_len, dim_model):
    # Faithful translation of NonSpikingInputEmbeddingBlock.position_encoding
    pos = jnp.arange(seq_len, dtype=jnp.float32).reshape(1, -1, 1)
    dim = jnp.arange(dim_model, dtype=jnp.float32).reshape(1, 1, -1)
    phase = pos / (10000.0 ** (dim / dim_model))
    return jnp.where(dim.astype(jnp.int32) % 2 == 0, jnp.sin(phase), jnp.cos(phase))


def setup_inputs(seed: int = 0) -> dict:
    key = jax.random.key(seed)
    k1, k2 = jax.random.split(key)
    tokens = jax.random.randint(k1, (BATCH, MAX_LEN), 0, VOCAB, dtype=jnp.int64 if jax.config.jax_enable_x64 else jnp.int32)
    table = jax.random.normal(k2, (VOCAB, EMBED_DIM), dtype=jnp.float32)
    return {"tokens": tokens, "table": table}


def reference(tokens, table):
    # forward: per-sequence token embedding lookup + sinusoidal positional
    # encoding (config.learned_embedding == False branch), batched via cat.
    emb = jnp.take(table, tokens, axis=0)           # [B, L, D] gather
    pe = position_encoding(MAX_LEN, EMBED_DIM)      # [1, L, D]
    return emb + pe

if __name__ == "__main__":
    import jax
    _d = setup_inputs()
    print(jax.jit(kernel)(*tuple(_d.values())))

</pallas_src>

<mosaic_0001>
#map = affine_map<(d0, d1) -> (0, 0)>
module attributes {stable_mosaic.version = 14 : i64} {
  func.func @_body(%arg0: i32, %arg1: i32, %arg2: memref<6400x128xi32, #tpu.memory_space<hbm>>, %arg3: memref<400x128xf32, #tpu.memory_space<hbm>>, %arg4: memref<100000x128xf32, #tpu.memory_space<hbm>>, %arg5: memref<819200x64xf32, #tpu.memory_space<hbm>>, %arg6: memref<200x128xi32, #tpu.memory_space<vmem>>, %arg7: memref<400x128xf32, #tpu.memory_space<vmem_shared>>, %arg8: memref<128x128xf32, #tpu.memory_space<vmem>>, %arg9: memref<128x128xf32, #tpu.memory_space<vmem>>, %arg10: memref<128x128xf32, #tpu.memory_space<vmem>>, %arg11: memref<128x128xf32, #tpu.memory_space<vmem>>, %arg12: memref<128x64xf32, #tpu.memory_space<vmem>>, %arg13: memref<128x64xf32, #tpu.memory_space<vmem>>, %arg14: memref<!tpu.dma_semaphore, #tpu.memory_space<semaphore_mem>>, %arg15: memref<!tpu.dma_semaphore, #tpu.memory_space<semaphore_mem>>, %arg16: memref<!tpu.dma_semaphore, #tpu.memory_space<semaphore_mem>>, %arg17: memref<!tpu.dma_semaphore, #tpu.memory_space<semaphore_mem>>, %arg18: memref<!tpu.dma_semaphore, #tpu.memory_space<semaphore_mem>>, %arg19: memref<!tpu.dma_semaphore, #tpu.memory_space<semaphore_mem>>) attributes {dimension_semantics = [#tpu.dimension_semantics<core_parallel>, #tpu.dimension_semantics<subcore_parallel>], iteration_bounds = array<i64: 2, 16>, scalar_prefetch = 0 : i64, scratch_operands = 14 : i64, tpu.core_type = #tpu.core_type<sc_vector_subcore>, window_params = [{transform_indices = #map}, {transform_indices = #map}, {transform_indices = #map}, {transform_indices = #map}]} {
    %mul3A = arith.constant 2 : i32
    %mul3A_0 = arith.muli %arg1, %mul3A : i32
    %add3A = arith.addi %mul3A_0, %arg0 : i32
    %mul3A_1 = arith.constant 200 : i32
    %mul3A_2 = arith.muli %add3A, %mul3A_1 : i32
    %mul3A_3 = arith.constant 25600 : i32
    %mul3A_4 = arith.muli %add3A, %mul3A_3 : i32
    "tpu.region"() ({
      %run_scoped3A = tpu.sem_alloc : memref<!tpu.dma_semaphore, #tpu.memory_space<semaphore_mem>>
      %dma_start3A_52 = arith.constant 0 : i32
      %dma_start3A_53 = tpu.memref_slice %arg2[%mul3A_2, %dma_start3A_52] : memref<6400x128xi32, #tpu.memory_space<hbm>> -> memref<200x128xi32, #tpu.memory_space<hbm>>
      %dma_start3A_54 = arith.constant 0 : i32
      %dma_start3A_55 = tpu.memref_slice %arg2[%mul3A_2, %dma_start3A_54] : memref<6400x128xi32, #tpu.memory_space<hbm>> -> memref<200x128xi32, #tpu.memory_space<hbm>>
      tpu.enqueue_dma source(%dma_start3A_55 : memref<200x128xi32, #tpu.memory_space<hbm>>) target(%arg6 : memref<200x128xi32, #tpu.memory_space<vmem>>) target_semaphore(%run_scoped3A : memref<!tpu.dma_semaphore, #tpu.memory_space<semaphore_mem>>)
      %dma_wait3A_56 = arith.constant 0 : i32
      %dma_wait3A_57 = tpu.memref_slice %arg2[%mul3A_2, %dma_wait3A_56] : memref<6400x128xi32, #tpu.memory_space<hbm>> -> memref<200x128xi32, #tpu.memory_space<hbm>>
      %dma_wait3A_58 = arith.constant 0 : i32
      %dma_wait3A_59 = tpu.memref_slice %arg2[%mul3A_2, %dma_wait3A_58] : memref<6400x128xi32, #tpu.memory_space<hbm>> -> memref<200x128xi32, #tpu.memory_space<hbm>>
      tpu.wait_dma2 semaphore(%run_scoped3A : memref<!tpu.dma_semaphore, #tpu.memory_space<semaphore_mem>>) src(%dma_wait3A_59 : memref<200x128xi32, #tpu.memory_space<hbm>>) dst(%arg6 : memref<200x128xi32, #tpu.memory_space<vmem>>)
      tpu.yield
    }) : () -> ()
    %eq3A = arith.constant 0 : i32
    %eq3A_5 = arith.cmpi eq, %arg1, %eq3A : i32
    %convert_element_type3A = arith.extui %eq3A_5 : i1 to i32
    %cond3A = arith.constant 0 : i32
    %cond3A_6 = arith.cmpi ne, %convert_element_type3A, %cond3A : i32
    scf.if %cond3A_6 {
      "tpu.region"() ({
        %run_scoped3A = tpu.sem_alloc : memref<!tpu.dma_semaphore, #tpu.memory_space<semaphore_mem>>
        tpu.enqueue_dma source(%arg3 : memref<400x128xf32, #tpu.memory_space<hbm>>) target(%arg7 : memref<400x128xf32, #tpu.memory_space<vmem_shared>>) target_semaphore(%run_scoped3A : memref<!tpu.dma_semaphore, #tpu.memory_space<semaphore_mem>>)
        tpu.wait_dma2 semaphore(%run_scoped3A : memref<!tpu.dma_semaphore, #tpu.memory_space<semaphore_mem>>) src(%arg3 : memref<400x128xf32, #tpu.memory_space<hbm>>) dst(%arg7 : memref<400x128xf32, #tpu.memory_space<vmem_shared>>)
        tpu.yield
      }) : () -> ()
    } else {
    }
    %barrier3A = arith.constant 0 : index
    tpu.barrier barrier_id(%barrier3A)
    %rem3A = arith.constant 0 : i32
    %rem3A_7 = arith.constant 200 : i32
    %rem3A_8 = arith.remsi %rem3A, %rem3A_7 : i32
    "tpu.region"() ({
      %run_scoped3A = tpu.sem_alloc : memref<!tpu.dma_semaphore, #tpu.memory_space<semaphore_mem>>
      %dma_start3A_52 = arith.constant 0 : i32
      %dma_start3A_53 = tpu.memref_slice %arg7[%rem3A_8, %dma_start3A_52] : memref<400x128xf32, #tpu.memory_space<vmem_shared>> -> memref<128x128xf32, #tpu.memory_space<vmem_shared>>
      %dma_start3A_54 = arith.constant 0 : i32
      %dma_start3A_55 = tpu.memref_slice %arg7[%rem3A_8, %dma_start3A_54] : memref<400x128xf32, #tpu.memory_space<vmem_shared>> -> memref<128x128xf32, #tpu.memory_space<vmem_shared>>
      tpu.enqueue_dma source(%dma_start3A_55 : memref<128x128xf32, #tpu.memory_space<vmem_shared>>) target(%arg8 : memref<128x128xf32, #tpu.memory_space<vmem>>) target_semaphore(%run_scoped3A : memref<!tpu.dma_semaphore, #tpu.memory_space<semaphore_mem>>)
      %dma_wait3A_56 = arith.constant 0 : i32
      %dma_wait3A_57 = tpu.memref_slice %arg7[%rem3A_8, %dma_wait3A_56] : memref<400x128xf32, #tpu.memory_space<vmem_shared>> -> memref<128x128xf32, #tpu.memory_space<vmem_shared>>
      %dma_wait3A_58 = arith.constant 0 : i32
      %dma_wait3A_59 = tpu.memref_slice %arg7[%rem3A_8, %dma_wait3A_58] : memref<400x128xf32, #tpu.memory_space<vmem_shared>> -> memref<128x128xf32, #tpu.memory_space<vmem_shared>>
      tpu.wait_dma2 semaphore(%run_scoped3A : memref<!tpu.dma_semaphore, #tpu.memory_space<semaphore_mem>>) src(%dma_wait3A_59 : memref<128x128xf32, #tpu.memory_space<vmem_shared>>) dst(%arg8 : memref<128x128xf32, #tpu.memory_space<vmem>>)
      tpu.yield
    }) : () -> ()
    %dma_start3A = arith.constant 0 : i32
    %dma_start3A_9 = arith.constant 0 : i32
    %dma_start3A_10 = tpu.memref_slice %arg6[%dma_start3A, %dma_start3A_9] : memref<200x128xi32, #tpu.memory_space<vmem>> -> memref<1x128xi32, #tpu.memory_space<vmem>>
    %dma_start3A_11 = tpu.memref_squeeze %dma_start3A_10 : memref<1x128xi32, #tpu.memory_space<vmem>> -> memref<128xi32, #tpu.memory_space<vmem>>
    %dma_start3A_12 = arith.constant 0 : i32
    %dma_start3A_13 = arith.constant 0 : i32
    %dma_start3A_14 = tpu.memref_slice %arg4[%dma_start3A_12, %dma_start3A_13] : memref<100000x128xf32, #tpu.memory_space<hbm>> -> memref<100000x128xf32, #tpu.memory_space<hbm>>
    tpu.enqueue_indirect_dma source(%dma_start3A_14 : memref<100000x128xf32, #tpu.memory_space<hbm>>) target(%arg8 : memref<128x128xf32, #tpu.memory_space<vmem>>) offsets(%dma_start3A_11 : memref<128xi32, #tpu.memory_space<vmem>>) semaphore(%arg14 : memref<!tpu.dma_semaphore, #tpu.memory_space<semaphore_mem>>) {add = true}
    %rem3A_15 = arith.constant 128 : i32
    %rem3A_16 = arith.constant 200 : i32
    %rem3A_17 = arith.remsi %rem3A_15, %rem3A_16 : i32
    "tpu.region"() ({
      %run_scoped3A = tpu.sem_alloc : memref<!tpu.dma_semaphore, #tpu.memory_space<semaphore_mem>>
      %dma_start3A_52 = arith.constant 0 : i32
      %dma_start3A_53 = tpu.memref_slice %arg7[%rem3A_17, %dma_start3A_52] : memref<400x128xf32, #tpu.memory_space<vmem_shared>> -> memref<128x128xf32, #tpu.memory_space<vmem_shared>>
      %dma_start3A_54 = arith.constant 0 : i32
      %dma_start3A_55 = tpu.memref_slice %arg7[%rem3A_17, %dma_start3A_54] : memref<400x128xf32, #tpu.memory_space<vmem_shared>> -> memref<128x128xf32, #tpu.memory_space<vmem_shared>>
      tpu.enqueue_dma source(%dma_start3A_55 : memref<128x128xf32, #tpu.memory_space<vmem_shared>>) target(%arg9 : memref<128x128xf32, #tpu.memory_space<vmem>>) target_semaphore(%run_scoped3A : memref<!tpu.dma_semaphore, #tpu.memory_space<semaphore_mem>>)
      %dma_wait3A_56 = arith.constant 0 : i32
      %dma_wait3A_57 = tpu.memref_slice %arg7[%rem3A_17, %dma_wait3A_56] : memref<400x128xf32, #tpu.memory_space<vmem_shared>> -> memref<128x128xf32, #tpu.memory_space<vmem_shared>>
      %dma_wait3A_58 = arith.constant 0 : i32
      %dma_wait3A_59 = tpu.memref_slice %arg7[%rem3A_17, %dma_wait3A_58] : memref<400x128xf32, #tpu.memory_space<vmem_shared>> -> memref<128x128xf32, #tpu.memory_space<vmem_shared>>
      tpu.wait_dma2 semaphore(%run_scoped3A : memref<!tpu.dma_semaphore, #tpu.memory_space<semaphore_mem>>) src(%dma_wait3A_59 : memref<128x128xf32, #tpu.memory_space<vmem_shared>>) dst(%arg9 : memref<128x128xf32, #tpu.memory_space<vmem>>)
      tpu.yield
    }) : () -> ()
    %dma_start3A_18 = arith.constant 1 : i32
    %dma_start3A_19 = arith.constant 0 : i32
    %dma_start3A_20 = tpu.memref_slice %arg6[%dma_start3A_18, %dma_start3A_19] : memref<200x128xi32, #tpu.memory_space<vmem>> -> memref<1x128xi32, #tpu.memory_space<vmem>>
    %dma_start3A_21 = tpu.memref_squeeze %dma_start3A_20 : memref<1x128xi32, #tpu.memory_space<vmem>> -> memref<128xi32, #tpu.memory_space<vmem>>
    %dma_start3A_22 = arith.constant 0 : i32
    %dma_start3A_23 = arith.constant 0 : i32
    %dma_start3A_24 = tpu.memref_slice %arg4[%dma_start3A_22, %dma_start3A_23] : memref<100000x128xf32, #tpu.memory_space<hbm>> -> memref<100000x128xf32, #tpu.memory_space<hbm>>
    tpu.enqueue_indirect_dma source(%dma_start3A_24 : memref<100000x128xf32, #tpu.memory_space<hbm>>) target(%arg9 : memref<128x128xf32, #tpu.memory_space<vmem>>) offsets(%dma_start3A_21 : memref<128xi32, #tpu.memory_space<vmem>>) semaphore(%arg15 : memref<!tpu.dma_semaphore, #tpu.memory_space<semaphore_mem>>) {add = true}
    %rem3A_25 = arith.constant 256 : i32
    %rem3A_26 = arith.constant 200 : i32
    %rem3A_27 = arith.remsi %rem3A_25, %rem3A_26 : i32
    "tpu.region"() ({
      %run_scoped3A = tpu.sem_alloc : memref<!tpu.dma_semaphore, #tpu.memory_space<semaphore_mem>>
      %dma_start3A_52 = arith.constant 0 : i32
      %dma_start3A_53 = tpu.memref_slice %arg7[%rem3A_27, %dma_start3A_52] : memref<400x128xf32, #tpu.memory_space<vmem_shared>> -> memref<128x128xf32, #tpu.memory_space<vmem_shared>>
      %dma_start3A_54 = arith.constant 0 : i32
      %dma_start3A_55 = tpu.memref_slice %arg7[%rem3A_27, %dma_start3A_54] : memref<400x128xf32, #tpu.memory_space<vmem_shared>> -> memref<128x128xf32, #tpu.memory_space<vmem_shared>>
      tpu.enqueue_dma source(%dma_start3A_55 : memref<128x128xf32, #tpu.memory_space<vmem_shared>>) target(%arg10 : memref<128x128xf32, #tpu.memory_space<vmem>>) target_semaphore(%run_scoped3A : memref<!tpu.dma_semaphore, #tpu.memory_space<semaphore_mem>>)
      %dma_wait3A_56 = arith.constant 0 : i32
      %dma_wait3A_57 = tpu.memref_slice %arg7[%rem3A_27, %dma_wait3A_56] : memref<400x128xf32, #tpu.memory_space<vmem_shared>> -> memref<128x128xf32, #tpu.memory_space<vmem_shared>>
      %dma_wait3A_58 = arith.constant 0 : i32
      %dma_wait3A_59 = tpu.memref_slice %arg7[%rem3A_27, %dma_wait3A_58] : memref<400x128xf32, #tpu.memory_space<vmem_shared>> -> memref<128x128xf32, #tpu.memory_space<vmem_shared>>
      tpu.wait_dma2 semaphore(%run_scoped3A : memref<!tpu.dma_semaphore, #tpu.memory_space<semaphore_mem>>) src(%dma_wait3A_59 : memref<128x128xf32, #tpu.memory_space<vmem_shared>>) dst(%arg10 : memref<128x128xf32, #tpu.memory_space<vmem>>)
      tpu.yield
    }) : () -> ()
    %dma_start3A_28 = arith.constant 2 : i32
    %dma_start3A_29 = arith.constant 0 : i32
    %dma_start3A_30 = tpu.memref_slice %arg6[%dma_start3A_28, %dma_start3A_29] : memref<200x128xi32, #tpu.memory_space<vmem>> -> memref<1x128xi32, #tpu.memory_space<vmem>>
    %dma_start3A_31 = tpu.memref_squeeze %dma_start3A_30 : memref<1x128xi32, #tpu.memory_space<vmem>> -> memref<128xi32, #tpu.memory_space<vmem>>
    %dma_start3A_32 = arith.constant 0 : i32
    %dma_start3A_33 = arith.constant 0 : i32
    %dma_start3A_34 = tpu.memref_slice %arg4[%dma_start3A_32, %dma_start3A_33] : memref<100000x128xf32, #tpu.memory_space<hbm>> -> memref<100000x128xf32, #tpu.memory_space<hbm>>
    tpu.enqueue_indirect_dma source(%dma_start3A_34 : memref<100000x128xf32, #tpu.memory_space<hbm>>) target(%arg10 : memref<128x128xf32, #tpu.memory_space<vmem>>) offsets(%dma_start3A_31 : memref<128xi32, #tpu.memory_space<vmem>>) semaphore(%arg16 : memref<!tpu.dma_semaphore, #tpu.memory_space<semaphore_mem>>) {add = true}
    %scan3A = arith.constant 0 : i32
    %scan3A_35 = arith.constant 0 : i32
    %scan3A_36 = arith.constant 50 : i32
    %scan3A_37 = arith.addi %scan3A_35, %scan3A_36 : i32
    %scan3A_38 = arith.constant 1 : i32
    %scan3A_39 = scf.for %scan3A_52 = %scan3A_35 to %scan3A_37 step %scan3A_38 iter_args(%scan3A_53 = %scan3A) -> (i32)  : i32 {
      %mul3A_54 = arith.constant 4 : i32
      %mul3A_55 = arith.muli %scan3A_52, %mul3A_54 : i32
      %add3A_56 = arith.constant 0 : i32
      %add3A_57 = arith.addi %mul3A_55, %add3A_56 : i32
      %dma_wait3A_58 = arith.constant 0 : i32
      %dma_wait3A_59 = tpu.memref_slice %arg6[%add3A_57, %dma_wait3A_58] : memref<200x128xi32, #tpu.memory_space<vmem>> -> memref<1x128xi32, #tpu.memory_space<vmem>>
      %dma_wait3A_60 = tpu.memref_squeeze %dma_wait3A_59 : memref<1x128xi32, #tpu.memory_space<vmem>> -> memref<128xi32, #tpu.memory_space<vmem>>
      %dma_wait3A_61 = arith.constant 0 : i32
      %dma_wait3A_62 = arith.constant 0 : i32
      %dma_wait3A_63 = tpu.memref_slice %arg4[%dma_wait3A_61, %dma_wait3A_62] : memref<100000x128xf32, #tpu.memory_space<hbm>> -> memref<100000x128xf32, #tpu.memory_space<hbm>>
      tpu.wait_indirect_dma semaphore(%arg14 : memref<!tpu.dma_semaphore, #tpu.memory_space<semaphore_mem>>) src(%dma_wait3A_63 : memref<100000x128xf32, #tpu.memory_space<hbm>>) dst(%arg8 : memref<128x128xf32, #tpu.memory_space<vmem>>)
      %ge3A = arith.constant 2 : i32
      %ge3A_64 = arith.cmpi sge, %add3A_57, %ge3A : i32
      %convert_element_type3A_65 = arith.extui %ge3A_64 : i1 to i32
      %cond3A_66 = arith.constant 0 : i32
      %cond3A_67 = arith.cmpi ne, %convert_element_type3A_65, %cond3A_66 : i32
      scf.if %cond3A_67 {
        %sub3A = arith.constant 2 : i32
        %sub3A_180 = arith.subi %add3A_57, %sub3A : i32
        %mul3A_181 = arith.constant 128 : i32
        %mul3A_182 = arith.muli %sub3A_180, %mul3A_181 : i32
        %add3A_183 = arith.addi %mul3A_4, %mul3A_182 : i32
        %dma_wait3A_184 = arith.constant 0 : i32
        %dma_wait3A_185 = tpu.memref_slice %arg5[%add3A_183, %dma_wait3A_184] : memref<819200x64xf32, #tpu.memory_space<hbm>> -> memref<128x64xf32, #tpu.memory_space<hbm>>
        %dma_wait3A_186 = arith.constant 0 : i32
        %dma_wait3A_187 = tpu.memref_slice %arg5[%add3A_183, %dma_wait3A_186] : memref<819200x64xf32, #tpu.memory_space<hbm>> -> memref<128x64xf32, #tpu.memory_space<hbm>>
        tpu.wait_dma2 semaphore(%arg18 : memref<!tpu.dma_semaphore, #tpu.memory_space<semaphore_mem>>) src(%arg12 : memref<128x64xf32, #tpu.memory_space<vmem>>) dst(%dma_wait3A_187 : memref<128x64xf32, #tpu.memory_space<hbm>>)
      } else {
      }
      %parallel_loop3A = arith.constant 0 : i32
      %parallel_loop3A_68 = arith.constant 128 : i32
      %parallel_loop3A_69 = arith.constant 1 : i32
      scf.for %parallel_loop3A_180 = %parallel_loop3A to %parallel_loop3A_68 step %parallel_loop3A_69  : i32 {
        %parallel_loop3A_181 = arith.index_cast %parallel_loop3A_180 : i32 to index
        %parallel_loop3A_182 = arith.constant 0 : index
        %parallel_loop3A_183 = tpu.vector_load %arg8[%parallel_loop3A_181, %parallel_loop3A_182] {strides = array<i32>} : memref<128x128xf32, #tpu.memory_space<vmem>>, vector<1x16xf32>,
        %parallel_loop3A_184 = vector.shape_cast %parallel_loop3A_183 : vector<1x16xf32> to vector<16xf32>
        %parallel_loop3A_185 = arith.index_cast %parallel_loop3A_180 : i32 to index
        %parallel_loop3A_186 = arith.constant 0 : index
        %parallel_loop3A_187 = tpu.vector_load %arg12[%parallel_loop3A_185, %parallel_loop3A_186] {strides = array<i32>} : memref<128x64xf32, #tpu.memory_space<vmem>>, vector<1x16xf32>,
        %parallel_loop3A_188 = vector.shape_cast %parallel_loop3A_187 : vector<1x16xf32> to vector<16xf32>
        %parallel_loop3A_189 = vector.shape_cast %parallel_loop3A_184 : vector<16xf32> to vector<1x16xf32>
        tpu.vector_store %arg12[%parallel_loop3A_185, %parallel_loop3A_186], %parallel_loop3A_189 {strides = array<i32>} : memref<128x64xf32, #tpu.memory_space<vmem>>, vector<1x16xf32>,
        %parallel_loop3A_190 = arith.index_cast %parallel_loop3A_180 : i32 to index
        %parallel_loop3A_191 = arith.constant 16 : index
        %parallel_loop3A_192 = tpu.vector_load %arg8[%parallel_loop3A_190, %parallel_loop3A_191] {strides = array<i32>} : memref<128x128xf32, #tpu.memory_space<vmem>>, vector<1x16xf32>,
        %parallel_loop3A_193 = vector.shape_cast %parallel_loop3A_192 : vector<1x16xf32> to vector<16xf32>
        %parallel_loop3A_194 = arith.index_cast %parallel_loop3A_180 : i32 to index
        %parallel_loop3A_195 = arith.constant 16 : index
        %parallel_loop3A_196 = tpu.vector_load %arg12[%parallel_loop3A_194, %parallel_loop3A_195] {strides = array<i32>} : memref<128x64xf32, #tpu.memory_space<vmem>>, vector<1x16xf32>,
        %parallel_loop3A_197 = vector.shape_cast %parallel_loop3A_196 : vector<1x16xf32> to vector<16xf32>
        %parallel_loop3A_198 = vector.shape_cast %parallel_loop3A_193 : vector<16xf32> to vector<1x16xf32>
        tpu.vector_store %arg12[%parallel_loop3A_194, %parallel_loop3A_195], %parallel_loop3A_198 {strides = array<i32>} : memref<128x64xf32, #tpu.memory_space<vmem>>, vector<1x16xf32>,
        %parallel_loop3A_199 = arith.index_cast %parallel_loop3A_180 : i32 to index
        %parallel_loop3A_200 = arith.constant 32 : index
        %parallel_loop3A_201 = tpu.vector_load %arg8[%parallel_loop3A_199, %parallel_loop3A_200] {strides = array<i32>} : memref<128x128xf32, #tpu.memory_space<vmem>>, vector<1x16xf32>,
        %parallel_loop3A_202 = vector.shape_cast %parallel_loop3A_201 : vector<1x16xf32> to vector<16xf32>
        %parallel_loop3A_203 = arith.index_cast %parallel_loop3A_180 : i32 to index
        %parallel_loop3A_204 = arith.constant 32 : index
        %parallel_loop3A_205 = tpu.vector_load %arg12[%parallel_loop3A_203, %parallel_loop3A_204] {strides = array<i32>} : memref<128x64xf32, #tpu.memory_space<vmem>>, vector<1x16xf32>,
        %parallel_loop3A_206 = vector.shape_cast %parallel_loop3A_205 : vector<1x16xf32> to vector<16xf32>
        %parallel_loop3A_207 = vector.shape_cast %parallel_loop3A_202 : vector<16xf32> to vector<1x16xf32>
        tpu.vector_store %arg12[%parallel_loop3A_203, %parallel_loop3A_204], %parallel_loop3A_207 {strides = array<i32>} : memref<128x64xf32, #tpu.memory_space<vmem>>, vector<1x16xf32>,
        %parallel_loop3A_208 = arith.index_cast %parallel_loop3A_180 : i32 to index
        %parallel_loop3A_209 = arith.constant 48 : index
        %parallel_loop3A_210 = tpu.vector_load %arg8[%parallel_loop3A_208, %parallel_loop3A_209] {strides = array<i32>} : memref<128x128xf32, #tpu.memory_space<vmem>>, vector<1x16xf32>,
        %parallel_loop3A_211 = vector.shape_cast %parallel_loop3A_210 : vector<1x16xf32> to vector<16xf32>
        %parallel_loop3A_212 = arith.index_cast %parallel_loop3A_180 : i32 to index
        %parallel_loop3A_213 = arith.constant 48 : index
        %parallel_loop3A_214 = tpu.vector_load %arg12[%parallel_loop3A_212, %parallel_loop3A_213] {strides = array<i32>} : memref<128x64xf32, #tpu.memory_space<vmem>>, vector<1x16xf32>,
        %parallel_loop3A_215 = vector.shape_cast %parallel_loop3A_214 : vector<1x16xf32> to vector<16xf32>
        %parallel_loop3A_216 = vector.shape_cast %parallel_loop3A_211 : vector<16xf32> to vector<1x16xf32>
        tpu.vector_store %arg12[%parallel_loop3A_212, %parallel_loop3A_213], %parallel_loop3A_216 {strides = array<i32>} : memref<128x64xf32, #tpu.memory_space<vmem>>, vector<1x16xf32>,
      } {sc.loop_unroll_factor = 8 : i64, sc.parallel_access}
      %mul3A_70 = arith.constant 128 : i32
      %mul3A_71 = arith.muli %add3A_57, %mul3A_70 : i32
      %add3A_72 = arith.addi %mul3A_4, %mul3A_71 : i32
      %dma_start3A_73 = arith.constant 0 : i32
      %dma_start3A_74 = tpu.memref_slice %arg5[%add3A_72, %dma_start3A_73] : memref<819200x64xf32, #tpu.memory_space<hbm>> -> memref<128x64xf32, #tpu.memory_space<hbm>>
      %dma_start3A_75 = arith.constant 0 : i32
      %dma_start3A_76 = tpu.memref_slice %arg5[%add3A_72, %dma_start3A_75] : memref<819200x64xf32, #tpu.memory_space<hbm>> -> memref<128x64xf32, #tpu.memory_space<hbm>>
      tpu.enqueue_dma source(%arg12 : memref<128x64xf32, #tpu.memory_space<vmem>>) target(%dma_start3A_76 : memref<128x64xf32, #tpu.memory_space<hbm>>) target_semaphore(%arg18 : memref<!tpu.dma_semaphore, #tpu.memory_space<semaphore_mem>>)
      %add3A_77 = arith.constant 3 : i32
      %add3A_78 = arith.addi %add3A_57, %add3A_77 : i32
      %lt3A = arith.constant 200 : i32
      %lt3A_79 = arith.cmpi slt, %add3A_78, %lt3A : i32
      %convert_element_type3A_80 = arith.extui %lt3A_79 : i1 to i32
      %cond3A_81 = arith.constant 0 : i32
      %cond3A_82 = arith.cmpi ne, %convert_element_type3A_80, %cond3A_81 : i32
      scf.if %cond3A_82 {
        %mul3A_180 = arith.constant 128 : i32
        %mul3A_181 = arith.muli %add3A_78, %mul3A_180 : i32
        %rem3A_182 = arith.constant 200 : i32
        %rem3A_183 = arith.remsi %mul3A_181, %rem3A_182 : i32
        "tpu.region"() ({
          %run_scoped3A = tpu.sem_alloc : memref<!tpu.dma_semaphore, #tpu.memory_space<semaphore_mem>>
          %dma_start3A_190 = arith.constant 0 : i32
          %dma_start3A_191 = tpu.memref_slice %arg7[%rem3A_183, %dma_start3A_190] : memref<400x128xf32, #tpu.memory_space<vmem_shared>> -> memref<128x128xf32, #tpu.memory_space<vmem_shared>>
          %dma_start3A_192 = arith.constant 0 : i32
          %dma_start3A_193 = tpu.memref_slice %arg7[%rem3A_183, %dma_start3A_192] : memref<400x128xf32, #tpu.memory_space<vmem_shared>> -> memref<128x128xf32, #tpu.memory_space<vmem_shared>>
          tpu.enqueue_dma source(%dma_start3A_193 : memref<128x128xf32, #tpu.memory_space<vmem_shared>>) target(%arg11 : memref<128x128xf32, #tpu.memory_space<vmem>>) target_semaphore(%run_scoped3A : memref<!tpu.dma_semaphore, #tpu.memory_space<semaphore_mem>>)
          %dma_wait3A_194 = arith.constant 0 : i32
          %dma_wait3A_195 = tpu.memref_slice %arg7[%rem3A_183, %dma_wait3A_194] : memref<400x128xf32, #tpu.memory_space<vmem_shared>> -> memref<128x128xf32, #tpu.memory_space<vmem_shared>>
          %dma_wait3A_196 = arith.constant 0 : i32
          %dma_wait3A_197 = tpu.memref_slice %arg7[%rem3A_183, %dma_wait3A_196] : memref<400x128xf32, #tpu.memory_space<vmem_shared>> -> memref<128x128xf32, #tpu.memory_space<vmem_shared>>
          tpu.wait_dma2 semaphore(%run_scoped3A : memref<!tpu.dma_semaphore, #tpu.memory_space<semaphore_mem>>) src(%dma_wait3A_197 : memref<128x128xf32, #tpu.memory_space<vmem_shared>>) dst(%arg11 : memref<128x128xf32, #tpu.memory_space<vmem>>)
          tpu.yield
        }) : () -> ()
        %dma_start3A_184 = arith.constant 0 : i32
        %dma_start3A_185 = tpu.memref_slice %arg6[%add3A_78, %dma_start3A_184] : memref<200x128xi32, #tpu.memory_space<vmem>> -> memref<1x128xi32, #tpu.memory_space<vmem>>
        %dma_start3A_186 = tpu.memref_squeeze %dma_start3A_185 : memref<1x128xi32, #tpu.memory_space<vmem>> -> memref<128xi32, #tpu.memory_space<vmem>>
        %dma_start3A_187 = arith.constant 0 : i32
        %dma_start3A_188 = arith.constant 0 : i32
        %dma_start3A_189 = tpu.memref_slice %arg4[%dma_start3A_187, %dma_start3A_188] : memref<100000x128xf32, #tpu.memory_space<hbm>> -> memref<100000x128xf32, #tpu.memory_space<hbm>>
        tpu.enqueue_indirect_dma source(%dma_start3A_189 : memref<100000x128xf32, #tpu.memory_space<hbm>>) target(%arg11 : memref<128x128xf32, #tpu.memory_space<vmem>>) offsets(%dma_start3A_186 : memref<128xi32, #tpu.memory_space<vmem>>) semaphore(%arg17 : memref<!tpu.dma_semaphore, #tpu.memory_space<semaphore_mem>>) {add = true}
      } else {
      }
      %mul3A_83 = arith.constant 4 : i32
      %mul3A_84 = arith.muli %scan3A_52, %mul3A_83 : i32
      %add3A_85 = arith.constant 1 : i32
      %add3A_86 = arith.addi %mul3A_84, %add3A_85 : i32
      %dma_wait3A_87 = arith.constant 0 : i32
      %dma_wait3A_88 = tpu.memref_slice %arg6[%add3A_86, %dma_wait3A_87] : memref<200x128xi32, #tpu.memory_space<vmem>> -> memref<1x128xi32, #tpu.memory_space<vmem>>
      %dma_wait3A_89 = tpu.memref_squeeze %dma_wait3A_88 : memref<1x128xi32, #tpu.memory_space<vmem>> -> memref<128xi32, #tpu.memory_space<vmem>>
      %dma_wait3A_90 = arith.constant 0 : i32
      %dma_wait3A_91 = arith.constant 0 : i32
      %dma_wait3A_92 = tpu.memref_slice %arg4[%dma_wait3A_90, %dma_wait3A_91] : memref<100000x128xf32, #tpu.memory_space<hbm>> -> memref<100000x128xf32, #tpu.memory_space<hbm>>
      tpu.wait_indirect_dma semaphore(%arg15 : memref<!tpu.dma_semaphore, #tpu.memory_space<semaphore_mem>>) src(%dma_wait3A_92 : memref<100000x128xf32, #tpu.memory_space<hbm>>) dst(%arg9 : memref<128x128xf32, #tpu.memory_space<vmem>>)
      %ge3A_93 = arith.constant 2 : i32
      %ge3A_94 = arith.cmpi sge, %add3A_86, %ge3A_93 : i32
      %convert_element_type3A_95 = arith.extui %ge3A_94 : i1 to i32
      %cond3A_96 = arith.constant 0 : i32
      %cond3A_97 = arith.cmpi ne, %convert_element_type3A_95, %cond3A_96 : i32
      scf.if %cond3A_97 {
        %sub3A = arith.constant 2 : i32
        %sub3A_180 = arith.subi %add3A_86, %sub3A : i32
        %mul3A_181 = arith.constant 128 : i32
        %mul3A_182 = arith.muli %sub3A_180, %mul3A_181 : i32
        %add3A_183 = arith.addi %mul3A_4, %mul3A_182 : i32
        %dma_wait3A_184 = arith.constant 0 : i32
        %dma_wait3A_185 = tpu.memref_slice %arg5[%add3A_183, %dma_wait3A_184] : memref<819200x64xf32, #tpu.memory_space<hbm>> -> memref<128x64xf32, #tpu.memory_space<hbm>>
        %dma_wait3A_186 = arith.constant 0 : i32
        %dma_wait3A_187 = tpu.memref_slice %arg5[%add3A_183, %dma_wait3A_186] : memref<819200x64xf32, #tpu.memory_space<hbm>> -> memref<128x64xf32, #tpu.memory_space<hbm>>
        tpu.wait_dma2 semaphore(%arg19 : memref<!tpu.dma_semaphore, #tpu.memory_space<semaphore_mem>>) src(%arg13 : memref<128x64xf32, #tpu.memory_space<vmem>>) dst(%dma_wait3A_187 : memref<128x64xf32, #tpu.memory_space<hbm>>)
      } else {
      }
      %parallel_loop3A_98 = arith.constant 0 : i32
      %parallel_loop3A_99 = arith.constant 128 : i32
      %parallel_loop3A_100 = arith.constant 1 : i32
      scf.for %parallel_loop3A_180 = %parallel_loop3A_98 to %parallel_loop3A_99 step %parallel_loop3A_100  : i32 {
        %parallel_loop3A_181 = arith.index_cast %parallel_loop3A_180 : i32 to index
        %parallel_loop3A_182 = arith.constant 0 : index
        %parallel_loop3A_183 = tpu.vector_load %arg9[%parallel_loop3A_181, %parallel_loop3A_182] {strides = array<i32>} : memref<128x128xf32, #tpu.memory_space<vmem>>, vector<1x16xf32>,
        %parallel_loop3A_184 = vector.shape_cast %parallel_loop3A_183 : vector<1x16xf32> to vector<16xf32>
        %parallel_loop3A_185 = arith.index_cast %parallel_loop3A_180 : i32 to index
        %parallel_loop3A_186 = arith.constant 0 : index
        %parallel_loop3A_187 = tpu.vector_load %arg13[%parallel_loop3A_185, %parallel_loop3A_186] {strides = array<i32>} : memref<128x64xf32, #tpu.memory_space<vmem>>, vector<1x16xf32>,
        %parallel_loop3A_188 = vector.shape_cast %parallel_loop3A_187 : vector<1x16xf32> to vector<16xf32>
        %parallel_loop3A_189 = vector.shape_cast %parallel_loop3A_184 : vector<16xf32> to vector<1x16xf32>
        tpu.vector_store %arg13[%parallel_loop3A_185, %parallel_loop3A_186], %parallel_loop3A_189 {strides = array<i32>} : memref<128x64xf32, #tpu.memory_space<vmem>>, vector<1x16xf32>,
        %parallel_loop3A_190 = arith.index_cast %parallel_loop3A_180 : i32 to index
        %parallel_loop3A_191 = arith.constant 16 : index
        %parallel_loop3A_192 = tpu.vector_load %arg9[%parallel_loop3A_190, %parallel_loop3A_191] {strides = array<i32>} : memref<128x128xf32, #tpu.memory_space<vmem>>, vector<1x16xf32>,
        %parallel_loop3A_193 = vector.shape_cast %parallel_loop3A_192 : vector<1x16xf32> to vector<16xf32>
        %parallel_loop3A_194 = arith.index_cast %parallel_loop3A_180 : i32 to index
        %parallel_loop3A_195 = arith.constant 16 : index
        %parallel_loop3A_196 = tpu.vector_load %arg13[%parallel_loop3A_194, %parallel_loop3A_195] {strides = array<i32>} : memref<128x64xf32, #tpu.memory_space<vmem>>, vector<1x16xf32>,
        %parallel_loop3A_197 = vector.shape_cast %parallel_loop3A_196 : vector<1x16xf32> to vector<16xf32>
        %parallel_loop3A_198 = vector.shape_cast %parallel_loop3A_193 : vector<16xf32> to vector<1x16xf32>
        tpu.vector_store %arg13[%parallel_loop3A_194, %parallel_loop3A_195], %parallel_loop3A_198 {strides = array<i32>} : memref<128x64xf32, #tpu.memory_space<vmem>>, vector<1x16xf32>,
        %parallel_loop3A_199 = arith.index_cast %parallel_loop3A_180 : i32 to index
        %parallel_loop3A_200 = arith.constant 32 : index
        %parallel_loop3A_201 = tpu.vector_load %arg9[%parallel_loop3A_199, %parallel_loop3A_200] {strides = array<i32>} : memref<128x128xf32, #tpu.memory_space<vmem>>, vector<1x16xf32>,
        %parallel_loop3A_202 = vector.shape_cast %parallel_loop3A_201 : vector<1x16xf32> to vector<16xf32>
        %parallel_loop3A_203 = arith.index_cast %parallel_loop3A_180 : i32 to index
        %parallel_loop3A_204 = arith.constant 32 : index
        %parallel_loop3A_205 = tpu.vector_load %arg13[%parallel_loop3A_203, %parallel_loop3A_204] {strides = array<i32>} : memref<128x64xf32, #tpu.memory_space<vmem>>, vector<1x16xf32>,
        %parallel_loop3A_206 = vector.shape_cast %parallel_loop3A_205 : vector<1x16xf32> to vector<16xf32>
        %parallel_loop3A_207 = vector.shape_cast %parallel_loop3A_202 : vector<16xf32> to vector<1x16xf32>
        tpu.vector_store %arg13[%parallel_loop3A_203, %parallel_loop3A_204], %parallel_loop3A_207 {strides = array<i32>} : memref<128x64xf32, #tpu.memory_space<vmem>>, vector<1x16xf32>,
        %parallel_loop3A_208 = arith.index_cast %parallel_loop3A_180 : i32 to index
        %parallel_loop3A_209 = arith.constant 48 : index
        %parallel_loop3A_210 = tpu.vector_load %arg9[%parallel_loop3A_208, %parallel_loop3A_209] {strides = array<i32>} : memref<128x128xf32, #tpu.memory_space<vmem>>, vector<1x16xf32>,
        %parallel_loop3A_211 = vector.shape_cast %parallel_loop3A_210 : vector<1x16xf32> to vector<16xf32>
        %parallel_loop3A_212 = arith.index_cast %parallel_loop3A_180 : i32 to index
        %parallel_loop3A_213 = arith.constant 48 : index
        %parallel_loop3A_214 = tpu.vector_load %arg13[%parallel_loop3A_212, %parallel_loop3A_213] {strides = array<i32>} : memref<128x64xf32, #tpu.memory_space<vmem>>, vector<1x16xf32>,
        %parallel_loop3A_215 = vector.shape_cast %parallel_loop3A_214 : vector<1x16xf32> to vector<16xf32>
        %parallel_loop3A_216 = vector.shape_cast %parallel_loop3A_211 : vector<16xf32> to vector<1x16xf32>
        tpu.vector_store %arg13[%parallel_loop3A_212, %parallel_loop3A_213], %parallel_loop3A_216 {strides = array<i32>} : memref<128x64xf32, #tpu.memory_space<vmem>>, vector<1x16xf32>,
      } {sc.loop_unroll_factor = 8 : i64, sc.parallel_access}
      %mul3A_101 = arith.constant 128 : i32
      %mul3A_102 = arith.muli %add3A_86, %mul3A_101 : i32
      %add3A_103 = arith.addi %mul3A_4, %mul3A_102 : i32
      %dma_start3A_104 = arith.constant 0 : i32
      %dma_start3A_105 = tpu.memref_slice %arg5[%add3A_103, %dma_start3A_104] : memref<819200x64xf32, #tpu.memory_space<hbm>> -> memref<128x64xf32, #tpu.memory_space<hbm>>
      %dma_start3A_106 = arith.constant 0 : i32
      %dma_start3A_107 = tpu.memref_slice %arg5[%add3A_103, %dma_start3A_106] : memref<819200x64xf32, #tpu.memory_space<hbm>> -> memref<128x64xf32, #tpu.memory_space<hbm>>
      tpu.enqueue_dma source(%arg13 : memref<128x64xf32, #tpu.memory_space<vmem>>) target(%dma_start3A_107 : memref<128x64xf32, #tpu.memory_space<hbm>>) target_semaphore(%arg19 : memref<!tpu.dma_semaphore, #tpu.memory_space<semaphore_mem>>)
      %add3A_108 = arith.constant 3 : i32
      %add3A_109 = arith.addi %add3A_86, %add3A_108 : i32
      %lt3A_110 = arith.constant 200 : i32
      %lt3A_111 = arith.cmpi slt, %add3A_109, %lt3A_110 : i32
      %convert_element_type3A_112 = arith.extui %lt3A_111 : i1 to i32
      %cond3A_113 = arith.constant 0 : i32
      %cond3A_114 = arith.cmpi ne, %convert_element_type3A_112, %cond3A_113 : i32
      scf.if %cond3A_114 {
        %mul3A_180 = arith.constant 128 : i32
        %mul3A_181 = arith.muli %add3A_109, %mul3A_180 : i32
        %rem3A_182 = arith.constant 200 : i32
        %rem3A_183 = arith.remsi %mul3A_181, %rem3A_182 : i32
        "tpu.region"() ({
          %run_scoped3A = tpu.sem_alloc : memref<!tpu.dma_semaphore, #tpu.memory_space<semaphore_mem>>
          %dma_start3A_190 = arith.constant 0 : i32
          %dma_start3A_191 = tpu.memref_slice %arg7[%rem3A_183, %dma_start3A_190] : memref<400x128xf32, #tpu.memory_space<vmem_shared>> -> memref<128x128xf32, #tpu.memory_space<vmem_shared>>
          %dma_start3A_192 = arith.constant 0 : i32
          %dma_start3A_193 = tpu.memref_slice %arg7[%rem3A_183, %dma_start3A_192] : memref<400x128xf32, #tpu.memory_space<vmem_shared>> -> memref<128x128xf32, #tpu.memory_space<vmem_shared>>
          tpu.enqueue_dma source(%dma_start3A_193 : memref<128x128xf32, #tpu.memory_space<vmem_shared>>) target(%arg8 : memref<128x128xf32, #tpu.memory_space<vmem>>) target_semaphore(%run_scoped3A : memref<!tpu.dma_semaphore, #tpu.memory_space<semaphore_mem>>)
          %dma_wait3A_194 = arith.constant 0 : i32
          %dma_wait3A_195 = tpu.memref_slice %arg7[%rem3A_183, %dma_wait3A_194] : memref<400x128xf32, #tpu.memory_space<vmem_shared>> -> memref<128x128xf32, #tpu.memory_space<vmem_shared>>
          %dma_wait3A_196 = arith.constant 0 : i32
          %dma_wait3A_197 = tpu.memref_slice %arg7[%rem3A_183, %dma_wait3A_196] : memref<400x128xf32, #tpu.memory_space<vmem_shared>> -> memref<128x128xf32, #tpu.memory_space<vmem_shared>>
          tpu.wait_dma2 semaphore(%run_scoped3A : memref<!tpu.dma_semaphore, #tpu.memory_space<semaphore_mem>>) src(%dma_wait3A_197 : memref<128x128xf32, #tpu.memory_space<vmem_shared>>) dst(%arg8 : memref<128x128xf32, #tpu.memory_space<vmem>>)
          tpu.yield
        }) : () -> ()
        %dma_start3A_184 = arith.constant 0 : i32
        %dma_start3A_185 = tpu.memref_slice %arg6[%add3A_109, %dma_start3A_184] : memref<200x128xi32, #tpu.memory_space<vmem>> -> memref<1x128xi32, #tpu.memory_space<vmem>>
        %dma_start3A_186 = tpu.memref_squeeze %dma_start3A_185 : memref<1x128xi32, #tpu.memory_space<vmem>> -> memref<128xi32, #tpu.memory_space<vmem>>
        %dma_start3A_187 = arith.constant 0 : i32
        %dma_start3A_188 = arith.constant 0 : i32
        %dma_start3A_189 = tpu.memref_slice %arg4[%dma_start3A_187, %dma_start3A_188] : memref<100000x128xf32, #tpu.memory_space<hbm>> -> memref<100000x128xf32, #tpu.memory_space<hbm>>
        tpu.enqueue_indirect_dma source(%dma_start3A_189 : memref<100000x128xf32, #tpu.memory_space<hbm>>) target(%arg8 : memref<128x128xf32, #tpu.memory_space<vmem>>) offsets(%dma_start3A_186 : memref<128xi32, #tpu.memory_space<vmem>>) semaphore(%arg14 : memref<!tpu.dma_semaphore, #tpu.memory_space<semaphore_mem>>) {add = true}
      } else {
      }
      %mul3A_115 = arith.constant 4 : i32
      %mul3A_116 = arith.muli %scan3A_52, %mul3A_115 : i32
      %add3A_117 = arith.constant 2 : i32
      %add3A_118 = arith.addi %mul3A_116, %add3A_117 : i32
      %dma_wait3A_119 = arith.constant 0 : i32
      %dma_wait3A_120 = tpu.memref_slice %arg6[%add3A_118, %dma_wait3A_119] : memref<200x128xi32, #tpu.memory_space<vmem>> -> memref<1x128xi32, #tpu.memory_space<vmem>>
      %dma_wait3A_121 = tpu.memref_squeeze %dma_wait3A_120 : memref<1x128xi32, #tpu.memory_space<vmem>> -> memref<128xi32, #tpu.memory_space<vmem>>
      %dma_wait3A_122 = arith.constant 0 : i32
      %dma_wait3A_123 = arith.constant 0 : i32
      %dma_wait3A_124 = tpu.memref_slice %arg4[%dma_wait3A_122, %dma_wait3A_123] : memref<100000x128xf32, #tpu.memory_space<hbm>> -> memref<100000x128xf32, #tpu.memory_space<hbm>>
      tpu.wait_indirect_dma semaphore(%arg16 : memref<!tpu.dma_semaphore, #tpu.memory_space<semaphore_mem>>) src(%dma_wait3A_124 : memref<100000x128xf32, #tpu.memory_space<hbm>>) dst(%arg10 : memref<128x128xf32, #tpu.memory_space<vmem>>)
      %ge3A_125 = arith.constant 2 : i32
      %ge3A_126 = arith.cmpi sge, %add3A_118, %ge3A_125 : i32
      %convert_element_type3A_127 = arith.extui %ge3A_126 : i1 to i32
      %cond3A_128 = arith.constant 0 : i32
      %cond3A_129 = arith.cmpi ne, %convert_element_type3A_127, %cond3A_128 : i32
      scf.if %cond3A_129 {
        %sub3A = arith.constant 2 : i32
        %sub3A_180 = arith.subi %add3A_118, %sub3A : i32
        %mul3A_181 = arith.constant 128 : i32
        %mul3A_182 = arith.muli %sub3A_180, %mul3A_181 : i32
        %add3A_183 = arith.addi %mul3A_4, %mul3A_182 : i32
        %dma_wait3A_184 = arith.constant 0 : i32
        %dma_wait3A_185 = tpu.memref_slice %arg5[%add3A_183, %dma_wait3A_184] : memref<819200x64xf32, #tpu.memory_space<hbm>> -> memref<128x64xf32, #tpu.memory_space<hbm>>
        %dma_wait3A_186 = arith.constant 0 : i32
        %dma_wait3A_187 = tpu.memref_slice %arg5[%add3A_183, %dma_wait3A_186] : memref<819200x64xf32, #tpu.memory_space<hbm>> -> memref<128x64xf32, #tpu.memory_space<hbm>>
        tpu.wait_dma2 semaphore(%arg18 : memref<!tpu.dma_semaphore, #tpu.memory_space<semaphore_mem>>) src(%arg12 : memref<128x64xf32, #tpu.memory_space<vmem>>) dst(%dma_wait3A_187 : memref<128x64xf32, #tpu.memory_space<hbm>>)
      } else {
      }
      %parallel_loop3A_130 = arith.constant 0 : i32
      %parallel_loop3A_131 = arith.constant 128 : i32
      %parallel_loop3A_132 = arith.constant 1 : i32
      scf.for %parallel_loop3A_180 = %parallel_loop3A_130 to %parallel_loop3A_131 step %parallel_loop3A_132  : i32 {
        %parallel_loop3A_181 = arith.index_cast %parallel_loop3A_180 : i32 to index
        %parallel_loop3A_182 = arith.constant 0 : index
        %parallel_loop3A_183 = tpu.vector_load %arg10[%parallel_loop3A_181, %parallel_loop3A_182] {strides = array<i32>} : memref<128x128xf32, #tpu.memory_space<vmem>>, vector<1x16xf32>,
        %parallel_loop3A_184 = vector.shape_cast %parallel_loop3A_183 : vector<1x16xf32> to vector<16xf32>
        %parallel_loop3A_185 = arith.index_cast %parallel_loop3A_180 : i32 to index
        %parallel_loop3A_186 = arith.constant 0 : index
        %parallel_loop3A_187 = tpu.vector_load %arg12[%parallel_loop3A_185, %parallel_loop3A_186] {strides = array<i32>} : memref<128x64xf32, #tpu.memory_space<vmem>>, vector<1x16xf32>,
        %parallel_loop3A_188 = vector.shape_cast %parallel_loop3A_187 : vector<1x16xf32> to vector<16xf32>
        %parallel_loop3A_189 = vector.shape_cast %parallel_loop3A_184 : vector<16xf32> to vector<1x16xf32>
        tpu.vector_store %arg12[%parallel_loop3A_185, %parallel_loop3A_186], %parallel_loop3A_189 {strides = array<i32>} : memref<128x64xf32, #tpu.memory_space<vmem>>, vector<1x16xf32>,
        %parallel_loop3A_190 = arith.index_cast %parallel_loop3A_180 : i32 to index
        %parallel_loop3A_191 = arith.constant 16 : index
        %parallel_loop3A_192 = tpu.vector_load %arg10[%parallel_loop3A_190, %parallel_loop3A_191] {strides = array<i32>} : memref<128x128xf32, #tpu.memory_space<vmem>>, vector<1x16xf32>,
        %parallel_loop3A_193 = vector.shape_cast %parallel_loop3A_192 : vector<1x16xf32> to vector<16xf32>
        %parallel_loop3A_194 = arith.index_cast %parallel_loop3A_180 : i32 to index
        %parallel_loop3A_195 = arith.constant 16 : index
        %parallel_loop3A_196 = tpu.vector_load %arg12[%parallel_loop3A_194, %parallel_loop3A_195] {strides = array<i32>} : memref<128x64xf32, #tpu.memory_space<vmem>>, vector<1x16xf32>,
        %parallel_loop3A_197 = vector.shape_cast %parallel_loop3A_196 : vector<1x16xf32> to vector<16xf32>
        %parallel_loop3A_198 = vector.shape_cast %parallel_loop3A_193 : vector<16xf32> to vector<1x16xf32>
        tpu.vector_store %arg12[%parallel_loop3A_194, %parallel_loop3A_195], %parallel_loop3A_198 {strides = array<i32>} : memref<128x64xf32, #tpu.memory_space<vmem>>, vector<1x16xf32>,
        %parallel_loop3A_199 = arith.index_cast %parallel_loop3A_180 : i32 to index
        %parallel_loop3A_200 = arith.constant 32 : index
        %parallel_loop3A_201 = tpu.vector_load %arg10[%parallel_loop3A_199, %parallel_loop3A_200] {strides = array<i32>} : memref<128x128xf32, #tpu.memory_space<vmem>>, vector<1x16xf32>,
        %parallel_loop3A_202 = vector.shape_cast %parallel_loop3A_201 : vector<1x16xf32> to vector<16xf32>
        %parallel_loop3A_203 = arith.index_cast %parallel_loop3A_180 : i32 to index
        %parallel_loop3A_204 = arith.constant 32 : index
        %parallel_loop3A_205 = tpu.vector_load %arg12[%parallel_loop3A_203, %parallel_loop3A_204] {strides = array<i32>} : memref<128x64xf32, #tpu.memory_space<vmem>>, vector<1x16xf32>,
        %parallel_loop3A_206 = vector.shape_cast %parallel_loop3A_205 : vector<1x16xf32> to vector<16xf32>
        %parallel_loop3A_207 = vector.shape_cast %parallel_loop3A_202 : vector<16xf32> to vector<1x16xf32>
        tpu.vector_store %arg12[%parallel_loop3A_203, %parallel_loop3A_204], %parallel_loop3A_207 {strides = array<i32>} : memref<128x64xf32, #tpu.memory_space<vmem>>, vector<1x16xf32>,
        %parallel_loop3A_208 = arith.index_cast %parallel_loop3A_180 : i32 to index
        %parallel_loop3A_209 = arith.constant 48 : index
        %parallel_loop3A_210 = tpu.vector_load %arg10[%parallel_loop3A_208, %parallel_loop3A_209] {strides = array<i32>} : memref<128x128xf32, #tpu.memory_space<vmem>>, vector<1x16xf32>,
        %parallel_loop3A_211 = vector.shape_cast %parallel_loop3A_210 : vector<1x16xf32> to vector<16xf32>
        %parallel_loop3A_212 = arith.index_cast %parallel_loop3A_180 : i32 to index
        %parallel_loop3A_213 = arith.constant 48 : index
        %parallel_loop3A_214 = tpu.vector_load %arg12[%parallel_loop3A_212, %parallel_loop3A_213] {strides = array<i32>} : memref<128x64xf32, #tpu.memory_space<vmem>>, vector<1x16xf32>,
        %parallel_loop3A_215 = vector.shape_cast %parallel_loop3A_214 : vector<1x16xf32> to vector<16xf32>
        %parallel_loop3A_216 = vector.shape_cast %parallel_loop3A_211 : vector<16xf32> to vector<1x16xf32>
        tpu.vector_store %arg12[%parallel_loop3A_212, %parallel_loop3A_213], %parallel_loop3A_216 {strides = array<i32>} : memref<128x64xf32, #tpu.memory_space<vmem>>, vector<1x16xf32>,
      } {sc.loop_unroll_factor = 8 : i64, sc.parallel_access}
      %mul3A_133 = arith.constant 128 : i32
      %mul3A_134 = arith.muli %add3A_118, %mul3A_133 : i32
      %add3A_135 = arith.addi %mul3A_4, %mul3A_134 : i32
      %dma_start3A_136 = arith.constant 0 : i32
      %dma_start3A_137 = tpu.memref_slice %arg5[%add3A_135, %dma_start3A_136] : memref<819200x64xf32, #tpu.memory_space<hbm>> -> memref<128x64xf32, #tpu.memory_space<hbm>>
      %dma_start3A_138 = arith.constant 0 : i32
      %dma_start3A_139 = tpu.memref_slice %arg5[%add3A_135, %dma_start3A_138] : memref<819200x64xf32, #tpu.memory_space<hbm>> -> memref<128x64xf32, #tpu.memory_space<hbm>>
      tpu.enqueue_dma source(%arg12 : memref<128x64xf32, #tpu.memory_space<vmem>>) target(%dma_start3A_139 : memref<128x64xf32, #tpu.memory_space<hbm>>) target_semaphore(%arg18 : memref<!tpu.dma_semaphore, #tpu.memory_space<semaphore_mem>>)
      %add3A_140 = arith.constant 3 : i32
      %add3A_141 = arith.addi %add3A_118, %add3A_140 : i32
      %lt3A_142 = arith.constant 200 : i32
      %lt3A_143 = arith.cmpi slt, %add3A_141, %lt3A_142 : i32
      %convert_element_type3A_144 = arith.extui %lt3A_143 : i1 to i32
      %cond3A_145 = arith.constant 0 : i32
      %cond3A_146 = arith.cmpi ne, %convert_element_type3A_144, %cond3A_145 : i32
      scf.if %cond3A_146 {
        %mul3A_180 = arith.constant 128 : i32
        %mul3A_181 = arith.muli %add3A_141, %mul3A_180 : i32
        %rem3A_182 = arith.constant 200 : i32
        %rem3A_183 = arith.remsi %mul3A_181, %rem3A_182 : i32
        "tpu.region"() ({
          %run_scoped3A = tpu.sem_alloc : memref<!tpu.dma_semaphore, #tpu.memory_space<semaphore_mem>>
          %dma_start3A_190 = arith.constant 0 : i32
          %dma_start3A_191 = tpu.memref_slice %arg7[%rem3A_183, %dma_start3A_190] : memref<400x128xf32, #tpu.memory_space<vmem_shared>> -> memref<128x128xf32, #tpu.memory_space<vmem_shared>>
          %dma_start3A_192 = arith.constant 0 : i32
          %dma_start3A_193 = tpu.memref_slice %arg7[%rem3A_183, %dma_start3A_192] : memref<400x128xf32, #tpu.memory_space<vmem_shared>> -> memref<128x128xf32, #tpu.memory_space<vmem_shared>>
          tpu.enqueue_dma source(%dma_start3A_193 : memref<128x128xf32, #tpu.memory_space<vmem_shared>>) target(%arg9 : memref<128x128xf32, #tpu.memory_space<vmem>>) target_semaphore(%run_scoped3A : memref<!tpu.dma_semaphore, #tpu.memory_space<semaphore_mem>>)
          %dma_wait3A_194 = arith.constant 0 : i32
          %dma_wait3A_195 = tpu.memref_slice %arg7[%rem3A_183, %dma_wait3A_194] : memref<400x128xf32, #tpu.memory_space<vmem_shared>> -> memref<128x128xf32, #tpu.memory_space<vmem_shared>>
          %dma_wait3A_196 = arith.constant 0 : i32
          %dma_wait3A_197 = tpu.memref_slice %arg7[%rem3A_183, %dma_wait3A_196] : memref<400x128xf32, #tpu.memory_space<vmem_shared>> -> memref<128x128xf32, #tpu.memory_space<vmem_shared>>
          tpu.wait_dma2 semaphore(%run_scoped3A : memref<!tpu.dma_semaphore, #tpu.memory_space<semaphore_mem>>) src(%dma_wait3A_197 : memref<128x128xf32, #tpu.memory_space<vmem_shared>>) dst(%arg9 : memref<128x128xf32, #tpu.memory_space<vmem>>)
          tpu.yield
        }) : () -> ()
        %dma_start3A_184 = arith.constant 0 : i32
        %dma_start3A_185 = tpu.memref_slice %arg6[%add3A_141, %dma_start3A_184] : memref<200x128xi32, #tpu.memory_space<vmem>> -> memref<1x128xi32, #tpu.memory_space<vmem>>
        %dma_start3A_186 = tpu.memref_squeeze %dma_start3A_185 : memref<1x128xi32, #tpu.memory_space<vmem>> -> memref<128xi32, #tpu.memory_space<vmem>>
        %dma_start3A_187 = arith.constant 0 : i32
        %dma_start3A_188 = arith.constant 0 : i32
        %dma_start3A_189 = tpu.memref_slice %arg4[%dma_start3A_187, %dma_start3A_188] : memref<100000x128xf32, #tpu.memory_space<hbm>> -> memref<100000x128xf32, #tpu.memory_space<hbm>>
        tpu.enqueue_indirect_dma source(%dma_start3A_189 : memref<100000x128xf32, #tpu.memory_space<hbm>>) target(%arg9 : memref<128x128xf32, #tpu.memory_space<vmem>>) offsets(%dma_start3A_186 : memref<128xi32, #tpu.memory_space<vmem>>) semaphore(%arg15 : memref<!tpu.dma_semaphore, #tpu.memory_space<semaphore_mem>>) {add = true}
      } else {
      }
      %mul3A_147 = arith.constant 4 : i32
      %mul3A_148 = arith.muli %scan3A_52, %mul3A_147 : i32
      %add3A_149 = arith.constant 3 : i32
      %add3A_150 = arith.addi %mul3A_148, %add3A_149 : i32
      %dma_wait3A_151 = arith.constant 0 : i32
      %dma_wait3A_152 = tpu.memref_slice %arg6[%add3A_150, %dma_wait3A_151] : memref<200x128xi32, #tpu.memory_space<vmem>> -> memref<1x128xi32, #tpu.memory_space<vmem>>
      %dma_wait3A_153 = tpu.memref_squeeze %dma_wait3A_152 : memref<1x128xi32, #tpu.memory_space<vmem>> -> memref<128xi32, #tpu.memory_space<vmem>>
      %dma_wait3A_154 = arith.constant 0 : i32
      %dma_wait3A_155 = arith.constant 0 : i32
      %dma_wait3A_156 = tpu.memref_slice %arg4[%dma_wait3A_154, %dma_wait3A_155] : memref<100000x128xf32, #tpu.memory_space<hbm>> -> memref<100000x128xf32, #tpu.memory_space<hbm>>
      tpu.wait_indirect_dma semaphore(%arg17 : memref<!tpu.dma_semaphore, #tpu.memory_space<semaphore_mem>>) src(%dma_wait3A_156 : memref<100000x128xf32, #tpu.memory_space<hbm>>) dst(%arg11 : memref<128x128xf32, #tpu.memory_space<vmem>>)
      %ge3A_157 = arith.constant 2 : i32
      %ge3A_158 = arith.cmpi sge, %add3A_150, %ge3A_157 : i32
      %convert_element_type3A_159 = arith.extui %ge3A_158 : i1 to i32
      %cond3A_160 = arith.constant 0 : i32
      %cond3A_161 = arith.cmpi ne, %convert_element_type3A_159, %cond3A_160 : i32
      scf.if %cond3A_161 {
        %sub3A = arith.constant 2 : i32
        %sub3A_180 = arith.subi %add3A_150, %sub3A : i32
        %mul3A_181 = arith.constant 128 : i32
        %mul3A_182 = arith.muli %sub3A_180, %mul3A_181 : i32
        %add3A_183 = arith.addi %mul3A_4, %mul3A_182 : i32
        %dma_wait3A_184 = arith.constant 0 : i32
        %dma_wait3A_185 = tpu.memref_slice %arg5[%add3A_183, %dma_wait3A_184] : memref<819200x64xf32, #tpu.memory_space<hbm>> -> memref<128x64xf32, #tpu.memory_space<hbm>>
        %dma_wait3A_186 = arith.constant 0 : i32
        %dma_wait3A_187 = tpu.memref_slice %arg5[%add3A_183, %dma_wait3A_186] : memref<819200x64xf32, #tpu.memory_space<hbm>> -> memref<128x64xf32, #tpu.memory_space<hbm>>
        tpu.wait_dma2 semaphore(%arg19 : memref<!tpu.dma_semaphore, #tpu.memory_space<semaphore_mem>>) src(%arg13 : memref<128x64xf32, #tpu.memory_space<vmem>>) dst(%dma_wait3A_187 : memref<128x64xf32, #tpu.memory_space<hbm>>)
      } else {
      }
      %parallel_loop3A_162 = arith.constant 0 : i32
      %parallel_loop3A_163 = arith.constant 128 : i32
      %parallel_loop3A_164 = arith.constant 1 : i32
      scf.for %parallel_loop3A_180 = %parallel_loop3A_162 to %parallel_loop3A_163 step %parallel_loop3A_164  : i32 {
        %parallel_loop3A_181 = arith.index_cast %parallel_loop3A_180 : i32 to index
        %parallel_loop3A_182 = arith.constant 0 : index
        %parallel_loop3A_183 = tpu.vector_load %arg11[%parallel_loop3A_181, %parallel_loop3A_182] {strides = array<i32>} : memref<128x128xf32, #tpu.memory_space<vmem>>, vector<1x16xf32>,
        %parallel_loop3A_184 = vector.shape_cast %parallel_loop3A_183 : vector<1x16xf32> to vector<16xf32>
        %parallel_loop3A_185 = arith.index_cast %parallel_loop3A_180 : i32 to index
        %parallel_loop3A_186 = arith.constant 0 : index
        %parallel_loop3A_187 = tpu.vector_load %arg13[%parallel_loop3A_185, %parallel_loop3A_186] {strides = array<i32>} : memref<128x64xf32, #tpu.memory_space<vmem>>, vector<1x16xf32>,
        %parallel_loop3A_188 = vector.shape_cast %parallel_loop3A_187 : vector<1x16xf32> to vector<16xf32>
        %parallel_loop3A_189 = vector.shape_cast %parallel_loop3A_184 : vector<16xf32> to vector<1x16xf32>
        tpu.vector_store %arg13[%parallel_loop3A_185, %parallel_loop3A_186], %parallel_loop3A_189 {strides = array<i32>} : memref<128x64xf32, #tpu.memory_space<vmem>>, vector<1x16xf32>,
        %parallel_loop3A_190 = arith.index_cast %parallel_loop3A_180 : i32 to index
        %parallel_loop3A_191 = arith.constant 16 : index
        %parallel_loop3A_192 = tpu.vector_load %arg11[%parallel_loop3A_190, %parallel_loop3A_191] {strides = array<i32>} : memref<128x128xf32, #tpu.memory_space<vmem>>, vector<1x16xf32>,
        %parallel_loop3A_193 = vector.shape_cast %parallel_loop3A_192 : vector<1x16xf32> to vector<16xf32>
        %parallel_loop3A_194 = arith.index_cast %parallel_loop3A_180 : i32 to index
        %parallel_loop3A_195 = arith.constant 16 : index
        %parallel_loop3A_196 = tpu.vector_load %arg13[%parallel_loop3A_194, %parallel_loop3A_195] {strides = array<i32>} : memref<128x64xf32, #tpu.memory_space<vmem>>, vector<1x16xf32>,
        %parallel_loop3A_197 = vector.shape_cast %parallel_loop3A_196 : vector<1x16xf32> to vector<16xf32>
        %parallel_loop3A_198 = vector.shape_cast %parallel_loop3A_193 : vector<16xf32> to vector<1x16xf32>
        tpu.vector_store %arg13[%parallel_loop3A_194, %parallel_loop3A_195], %parallel_loop3A_198 {strides = array<i32>} : memref<128x64xf32, #tpu.memory_space<vmem>>, vector<1x16xf32>,
        %parallel_loop3A_199 = arith.index_cast %parallel_loop3A_180 : i32 to index
        %parallel_loop3A_200 = arith.constant 32 : index
        %parallel_loop3A_201 = tpu.vector_load %arg11[%parallel_loop3A_199, %parallel_loop3A_200] {strides = array<i32>} : memref<128x128xf32, #tpu.memory_space<vmem>>, vector<1x16xf32>,
        %parallel_loop3A_202 = vector.shape_cast %parallel_loop3A_201 : vector<1x16xf32> to vector<16xf32>
        %parallel_loop3A_203 = arith.index_cast %parallel_loop3A_180 : i32 to index
        %parallel_loop3A_204 = arith.constant 32 : index
        %parallel_loop3A_205 = tpu.vector_load %arg13[%parallel_loop3A_203, %parallel_loop3A_204] {strides = array<i32>} : memref<128x64xf32, #tpu.memory_space<vmem>>, vector<1x16xf32>,
        %parallel_loop3A_206 = vector.shape_cast %parallel_loop3A_205 : vector<1x16xf32> to vector<16xf32>
        %parallel_loop3A_207 = vector.shape_cast %parallel_loop3A_202 : vector<16xf32> to vector<1x16xf32>
        tpu.vector_store %arg13[%parallel_loop3A_203, %parallel_loop3A_204], %parallel_loop3A_207 {strides = array<i32>} : memref<128x64xf32, #tpu.memory_space<vmem>>, vector<1x16xf32>,
        %parallel_loop3A_208 = arith.index_cast %parallel_loop3A_180 : i32 to index
        %parallel_loop3A_209 = arith.constant 48 : index
        %parallel_loop3A_210 = tpu.vector_load %arg11[%parallel_loop3A_208, %parallel_loop3A_209] {strides = array<i32>} : memref<128x128xf32, #tpu.memory_space<vmem>>, vector<1x16xf32>,
        %parallel_loop3A_211 = vector.shape_cast %parallel_loop3A_210 : vector<1x16xf32> to vector<16xf32>
        %parallel_loop3A_212 = arith.index_cast %parallel_loop3A_180 : i32 to index
        %parallel_loop3A_213 = arith.constant 48 : index
        %parallel_loop3A_214 = tpu.vector_load %arg13[%parallel_loop3A_212, %parallel_loop3A_213] {strides = array<i32>} : memref<128x64xf32, #tpu.memory_space<vmem>>, vector<1x16xf32>,
        %parallel_loop3A_215 = vector.shape_cast %parallel_loop3A_214 : vector<1x16xf32> to vector<16xf32>
        %parallel_loop3A_216 = vector.shape_cast %parallel_loop3A_211 : vector<16xf32> to vector<1x16xf32>
        tpu.vector_store %arg13[%parallel_loop3A_212, %parallel_loop3A_213], %parallel_loop3A_216 {strides = array<i32>} : memref<128x64xf32, #tpu.memory_space<vmem>>, vector<1x16xf32>,
      } {sc.loop_unroll_factor = 8 : i64, sc.parallel_access}
      %mul3A_165 = arith.constant 128 : i32
      %mul3A_166 = arith.muli %add3A_150, %mul3A_165 : i32
      %add3A_167 = arith.addi %mul3A_4, %mul3A_166 : i32
      %dma_start3A_168 = arith.constant 0 : i32
      %dma_start3A_169 = tpu.memref_slice %arg5[%add3A_167, %dma_start3A_168] : memref<819200x64xf32, #tpu.memory_space<hbm>> -> memref<128x64xf32, #tpu.memory_space<hbm>>
      %dma_start3A_170 = arith.constant 0 : i32
      %dma_start3A_171 = tpu.memref_slice %arg5[%add3A_167, %dma_start3A_170] : memref<819200x64xf32, #tpu.memory_space<hbm>> -> memref<128x64xf32, #tpu.memory_space<hbm>>
      tpu.enqueue_dma source(%arg13 : memref<128x64xf32, #tpu.memory_space<vmem>>) target(%dma_start3A_171 : memref<128x64xf32, #tpu.memory_space<hbm>>) target_semaphore(%arg19 : memref<!tpu.dma_semaphore, #tpu.memory_space<semaphore_mem>>)
      %add3A_172 = arith.constant 3 : i32
      %add3A_173 = arith.addi %add3A_150, %add3A_172 : i32
      %lt3A_174 = arith.constant 200 : i32
      %lt3A_175 = arith.cmpi slt, %add3A_173, %lt3A_174 : i32
      %convert_element_type3A_176 = arith.extui %lt3A_175 : i1 to i32
      %cond3A_177 = arith.constant 0 : i32
      %cond3A_178 = arith.cmpi ne, %convert_element_type3A_176, %cond3A_177 : i32
      scf.if %cond3A_178 {
        %mul3A_180 = arith.constant 128 : i32
        %mul3A_181 = arith.muli %add3A_173, %mul3A_180 : i32
        %rem3A_182 = arith.constant 200 : i32
        %rem3A_183 = arith.remsi %mul3A_181, %rem3A_182 : i32
        "tpu.region"() ({
          %run_scoped3A = tpu.sem_alloc : memref<!tpu.dma_semaphore, #tpu.memory_space<semaphore_mem>>
          %dma_start3A_190 = arith.constant 0 : i32
          %dma_start3A_191 = tpu.memref_slice %arg7[%rem3A_183, %dma_start3A_190] : memref<400x128xf32, #tpu.memory_space<vmem_shared>> -> memref<128x128xf32, #tpu.memory_space<vmem_shared>>
          %dma_start3A_192 = arith.constant 0 : i32
          %dma_start3A_193 = tpu.memref_slice %arg7[%rem3A_183, %dma_start3A_192] : memref<400x128xf32, #tpu.memory_space<vmem_shared>> -> memref<128x128xf32, #tpu.memory_space<vmem_shared>>
          tpu.enqueue_dma source(%dma_start3A_193 : memref<128x128xf32, #tpu.memory_space<vmem_shared>>) target(%arg10 : memref<128x128xf32, #tpu.memory_space<vmem>>) target_semaphore(%run_scoped3A : memref<!tpu.dma_semaphore, #tpu.memory_space<semaphore_mem>>)
          %dma_wait3A_194 = arith.constant 0 : i32
          %dma_wait3A_195 = tpu.memref_slice %arg7[%rem3A_183, %dma_wait3A_194] : memref<400x128xf32, #tpu.memory_space<vmem_shared>> -> memref<128x128xf32, #tpu.memory_space<vmem_shared>>
          %dma_wait3A_196 = arith.constant 0 : i32
          %dma_wait3A_197 = tpu.memref_slice %arg7[%rem3A_183, %dma_wait3A_196] : memref<400x128xf32, #tpu.memory_space<vmem_shared>> -> memref<128x128xf32, #tpu.memory_space<vmem_shared>>
          tpu.wait_dma2 semaphore(%run_scoped3A : memref<!tpu.dma_semaphore, #tpu.memory_space<semaphore_mem>>) src(%dma_wait3A_197 : memref<128x128xf32, #tpu.memory_space<vmem_shared>>) dst(%arg10 : memref<128x128xf32, #tpu.memory_space<vmem>>)
          tpu.yield
        }) : () -> ()
        %dma_start3A_184 = arith.constant 0 : i32
        %dma_start3A_185 = tpu.memref_slice %arg6[%add3A_173, %dma_start3A_184] : memref<200x128xi32, #tpu.memory_space<vmem>> -> memref<1x128xi32, #tpu.memory_space<vmem>>
        %dma_start3A_186 = tpu.memref_squeeze %dma_start3A_185 : memref<1x128xi32, #tpu.memory_space<vmem>> -> memref<128xi32, #tpu.memory_space<vmem>>
        %dma_start3A_187 = arith.constant 0 : i32
        %dma_start3A_188 = arith.constant 0 : i32
        %dma_start3A_189 = tpu.memref_slice %arg4[%dma_start3A_187, %dma_start3A_188] : memref<100000x128xf32, #tpu.memory_space<hbm>> -> memref<100000x128xf32, #tpu.memory_space<hbm>>
        tpu.enqueue_indirect_dma source(%dma_start3A_189 : memref<100000x128xf32, #tpu.memory_space<hbm>>) target(%arg10 : memref<128x128xf32, #tpu.memory_space<vmem>>) offsets(%dma_start3A_186 : memref<128xi32, #tpu.memory_space<vmem>>) semaphore(%arg16 : memref<!tpu.dma_semaphore, #tpu.memory_space<semaphore_mem>>) {add = true}
      } else {
      }
      %scan3A_179 = arith.constant 0 : i32
      scf.yield %scan3A_179 : i32
    }
    %scan3A_40 = arith.constant 50 : i32
    %add3A_41 = arith.constant 25344 : i32
    %add3A_42 = arith.addi %mul3A_4, %add3A_41 : i32
    %dma_wait3A = arith.constant 0 : i32
    %dma_wait3A_43 = tpu.memref_slice %arg5[%add3A_42, %dma_wait3A] : memref<819200x64xf32, #tpu.memory_space<hbm>> -> memref<128x64xf32, #tpu.memory_space<hbm>>
    %dma_wait3A_44 = arith.constant 0 : i32
    %dma_wait3A_45 = tpu.memref_slice %arg5[%add3A_42, %dma_wait3A_44] : memref<819200x64xf32, #tpu.memory_space<hbm>> -> memref<128x64xf32, #tpu.memory_space<hbm>>
    tpu.wait_dma2 semaphore(%arg18 : memref<!tpu.dma_semaphore, #tpu.memory_space<semaphore_mem>>) src(%arg12 : memref<128x64xf32, #tpu.memory_space<vmem>>) dst(%dma_wait3A_45 : memref<128x64xf32, #tpu.memory_space<hbm>>)
    %add3A_46 = arith.constant 25472 : i32
    %add3A_47 = arith.addi %mul3A_4, %add3A_46 : i32
    %dma_wait3A_48 = arith.constant 0 : i32
    %dma_wait3A_49 = tpu.memref_slice %arg5[%add3A_47, %dma_wait3A_48] : memref<819200x64xf32, #tpu.memory_space<hbm>> -> memref<128x64xf32, #tpu.memory_space<hbm>>
    %dma_wait3A_50 = arith.constant 0 : i32
    %dma_wait3A_51 = tpu.memref_slice %arg5[%add3A_47, %dma_wait3A_50] : memref<819200x64xf32, #tpu.memory_space<hbm>> -> memref<128x64xf32, #tpu.memory_space<hbm>>
    tpu.wait_dma2 semaphore(%arg19 : memref<!tpu.dma_semaphore, #tpu.memory_space<semaphore_mem>>) src(%arg13 : memref<128x64xf32, #tpu.memory_space<vmem>>) dst(%dma_wait3A_51 : memref<128x64xf32, #tpu.memory_space<hbm>>)
    return
  }
}

</mosaic_0001>

<sc_bundles>
// kernel: kernel.3.cloned.1.call-start
scs
__scs_entry_jumppad:
0x0: {  	(pc) =	sbr.rel $0x88, $3  }
0x1: {  	(tag) =	ssettag $0x0;
	lr =	simm.s32 $0x1  }
0x2: {  	[smem:$0x3F9F] =	sst lr;
	_ =	strace $0xD0000000  }
0x3: {  	_ = 	snop  }
0x4: {  	_ = 	snop  }
0x5: {  	_ = 	snop  }
0x6: {  	_ = 	snop  }
0x7: {  	_ = 	snop  }
__scs_overlays_trampoline_lowered:
0x8: {  	[smem:$0x3FAE] =	sst s0  }
0x9: {  	[smem:$0x3FAF] =	sst s1  }
0xa: {  	[smem:$0x3FB0] =	sst s2  }
0xb: {  	[smem:$0x3FB1] =	sst s3  }
0xc: {  	[smem:$0x3FB2] =	sst s4  }
0xd: {  	[smem:$0x3FB3] =	sst s5  }
0xe: {  	[smem:$0x3FB4] =	sst s6  }
0xf: {  	[smem:$0x3FB5] =	sst s7  }
0x10: {  	[smem:$0x3FB6] =	sst s8  }
0x11: {  	[smem:$0x3FB7] =	sst s9;
	s0 =	simm.s32 @!p0 $0x0  }
0x12: {  	s1 =	sld [smem:$0x3F9D];
	s0 =	simm.s32 @p0 $0x1  }
0x13: {  	[smem:$0x3FB8] =	sst s0;
	s0 =	simm.s32 @!p1 $0x0  }
0x14: {  	s2 =	sld [smem:$0x3F9C];
	s0 =	simm.s32 @p1 $0x1  }
0x15: {  	[smem:$0x3FB9] =	sst s0;
	s0 =	simm.s32 @!p2 $0x0  }
0x16: {  	s3 =	sld [smem:$0x3FDB];
	s0 =	simm.s32 @p2 $0x1  }
0x17: {  	s4 =	simm.s32 $0x1BF5;
	[smem:$0x3FBB] =	sst s0  }
0x18: {  	s0 =	sld [smem:$0x3F9E];
	_ =	swait.ge [sflag:s4], $0x0  }
0x19: {  	s7 =	sld [smem:$0x3F9F]  }
0x1a: {  	s8 =	sadd.s32 $0xFFFFE003, lr  }
0x1b: {  	s9 =	sadd.s32 $0xFFFFFEF7, lr;
	s5 =	simm.s32 $0xFFFFFFFF;
	p2 =	slt.u32 s8, $0xFFFFF086  }
0x1c: {  	p1 =	slt.u32 s9, $0xF7A;
	s5 =	simm.s32 @!p2 $0x0  }
0x1d: {  	s5 =	simm.s32 @p1 $0x1;
	p0 =	seq.s32 s7, s2  }
0x1e: {  	s7 =	smul.u32 @!p0 $0xF7A, s2;
	p2 =	seq.s32 @!p0 s5, $0x0  }
0x1f: {  	s9 =	smul.u32 $0xF7A, s1;
	s8 =	simm.s32 @!p0 $0x1BF5;
	p2 =	por !p2, p0  }
0x20: {  	[sflag:s8] =	ssyncset.s32 @!p0 $0xFFFFF086;
	s6 =	sadd.s32 @!p0 s3, s7;
	s7 =	simm.s32 @!p0 $0x108  }
0x21: {  	s3 =	sadd.s32 s3, s9;
	s6 =	sadd.s32 @!p0 $0x88, s6;
	s7 =	simm.s32 @p2 $0x1082  }
0x22: {  	[simem:s7], [sflag:s8] =	dma.local @!p0 [hbm:s6], $0xF7A  }
0x23: {  	s9 =	sor.u32 $0xD0000000, s2;
	s6 =	simm.s32 $0x108;
	_ =	swait.ge @!p0 [sflag:s8], $0x0  }
0x24: {  	s3 =	sadd.s32 $0x88, s3;
	s6 =	simm.s32 @!p1 $0x1082;
	[sflag:s4] =	ssyncset.s32 $0xFFFFF086  }
0x25: {  	[simem:s6], [sflag:s4] =	dma.local [hbm:s3], $0xF7A  }
0x26: {  	[smem:$0x3F9F] =	sst s1;
	(tag) =	ssettag s2;
	_ =	strace s9  }
0x27: {  	s1 =	sld [smem:$0x3FAF]  }
0x28: {  	s2 =	sld [smem:$0x3FB0]  }
0x29: {  	s4 =	sld [smem:$0x3FB2]  }
0x2a: {  	p0 =	seq.s32 s5, $0x0;
	s5 =	sld [smem:$0x3FB3]  }
0x2b: {  	s6 =	sld [smem:$0x3FB4]  }
0x2c: {  	s7 =	sld [smem:$0x3FB5]  }
0x2d: {  	s3 =	simm.s32 $0x108;
	s8 =	sld [smem:$0x3FB6]  }
0x2e: {  	s3 =	simm.s32 @!p0 $0x1082;
	s9 =	sld [smem:$0x3FB7]  }
0x2f: {  	lr =	sadd.s32 s0, s3;
	s0 =	sld [smem:$0x3FAE]  }
0x30: {  	s3 =	sld [smem:$0x3FB1]  }
0x31: {  	[smem:$0x3FBA] =	sst s10  }
0x32: {  	s10 =	sld [smem:$0x3FB8];
	_ =	sdelay $0x3  }
0x33: {  	p0 =	seq.s32 s10, $0x1;
	s10 =	sld [smem:$0x3FBA];
	_ =	sdelay $0x3  }
0x34: {  	[smem:$0x3FBA] =	sst s10  }
0x35: {  	s10 =	sld [smem:$0x3FB9];
	_ =	sdelay $0x3  }
0x36: {  	p1 =	seq.s32 s10, $0x1;
	s10 =	sld [smem:$0x3FBA];
	_ =	sdelay $0x3  }
0x37: {  	[smem:$0x3FBA] =	sst s10  }
0x38: {  	s10 =	sld [smem:$0x3FBB]  }
0x39: {  	_ = 	snop;
	(pc) =	sbr.ind lr, $3  }
0x3a: {  	_ = 	snop  }
0x3b: {  	_ = 	snop  }
0x3c: {  	p2 =	seq.s32 s10, $0x1;
	s10 =	sld [smem:$0x3FBA]  }
0x3d: {  	_ =	shalt  }
0x3e: {  	_ =	shalt  }
0x3f: {  	_ =	shalt  }
0x40: {  	_ =	shalt  }
0x41: {  	_ =	shalt  }
0x42: {  	_ =	shalt  }
0x43: {  	_ =	shalt  }
0x44: {  	_ =	shalt  }
0x45: {  	_ =	shalt  }
0x46: {  	_ =	shalt  }
0x47: {  	_ =	shalt  }
0x48: {  	_ =	shalt  }
0x49: {  	_ =	shalt  }
0x4a: {  	_ =	shalt  }
0x4b: {  	_ =	shalt  }
0x4c: {  	_ =	shalt  }
0x4d: {  	_ =	shalt  }
0x4e: {  	_ =	shalt  }
0x4f: {  	_ =	shalt  }
0x50: {  	_ =	shalt  }
0x51: {  	_ =	shalt  }
0x52: {  	_ =	shalt  }
0x53: {  	_ =	shalt  }
0x54: {  	_ =	shalt  }
0x55: {  	_ =	shalt  }
0x56: {  	_ =	shalt  }
0x57: {  	_ =	shalt  }
0x58: {  	_ =	shalt  }
0x59: {  	_ =	shalt  }
0x5a: {  	_ =	shalt  }
0x5b: {  	_ =	shalt  }
0x5c: {  	_ =	shalt  }
0x5d: {  	_ =	shalt  }
0x5e: {  	_ =	shalt  }
0x5f: {  	_ =	shalt  }
0x60: {  	_ =	shalt  }
0x61: {  	_ =	shalt  }
0x62: {  	_ =	shalt  }
0x63: {  	_ =	shalt  }
0x64: {  	_ =	shalt  }
0x65: {  	_ =	shalt  }
0x66: {  	_ =	shalt  }
0x67: {  	_ =	shalt  }
0x68: {  	_ =	shalt  }
0x69: {  	_ =	shalt  }
0x6a: {  	_ =	shalt  }
0x6b: {  	_ =	shalt  }
0x6c: {  	_ =	shalt  }
0x6d: {  	_ =	shalt  }
0x6e: {  	_ =	shalt  }
0x6f: {  	_ =	shalt  }
0x70: {  	_ =	shalt  }
0x71: {  	_ =	shalt  }
0x72: {  	_ =	shalt  }
0x73: {  	_ =	shalt  }
0x74: {  	_ =	shalt  }
0x75: {  	_ =	shalt  }
0x76: {  	_ =	shalt  }
0x77: {  	_ =	shalt  }
0x78: {  	_ =	shalt  }
0x79: {  	_ =	shalt  }
0x7a: {  	_ =	shalt  }
0x7b: {  	_ =	shalt  }
0x7c: {  	_ =	shalt  }
0x7d: {  	_ =	shalt  }
0x7e: {  	_ =	shalt  }
0x7f: {  	_ =	shalt  }
0x80: {  	_ =	shalt  }
0x81: {  	_ =	shalt  }
0x82: {  	_ =	shalt  }
0x83: {  	_ =	shalt  }
0x84: {  	_ =	shalt  }
0x85: {  	_ =	shalt  }
0x86: {  	_ =	shalt  }
0x87: {  	_ =	shalt  }
.Lfunc_end0:
.L_simem_size_0:
called_computation.1_lowered:
.L_overlay_start_0:
0x88: {  	s2 =	sld [smem:$0x3FD9]  }
0x89: {  	s3 =	sld [smem:$0x3FFE];
	_ =	sdelay $0x1  }
0x8a: {  	s1 =	srdreg.scid  }
0x8b: {  	s0 =	sand.u32 $0x1, s1  }
0x8c: {  	s16 =	sshll.u32 s0, $0xA;
	s2 =	sadd.s32 s3, s2  }
0x8d: {  	s2 =	sadd.s32 s2, s16  }
0x8e: {  	[smem:$0x3FC6] =	sst s2  }
0x8f: {  	_ = 	snop  }
0x90: {  	(tm) =	ssettm $0x1  }
0x91: {  	s17 =	sld [smem:$0x3FFB];
	_ =	sdelay $0x3  }
0x92: {  	_ =	strace s17  }
0x93: {  	s2 =	sld [smem:$0x3FFC];
	_ =	sdelay $0x3  }
0x94: {  	_ =	strace s2  }
0x95: {  	s2 =	sld [smem:$0x3FFD];
	_ =	sdelay $0x3  }
0x96: {  	_ =	strace s2  }
0x97: {  	_ =	strace $0x8FFFFFFF  }
0x98: {  	s18 =	sld [smem:$0x3FDB];
	_ =	sdelay $0x1  }
0x99: {  	s19 =	simm.s32 $_scs_section_size  }
0x9a: {  	s4 =	simm.s32 $_size__tile_overlayer_lowered;
	s5 =	simm.s32 $_tile_overlayer_lowered  }
0x9b: {  	s22 =	simm.s32 $0x1BFF;
	s21 =	sshll.u32 s5, $0x1;
	s2 =	sadd.s32 s19, s18  }
0x9c: {  	s6 =	simm.s32 $0x0;
	s20 =	sshll.u32 s4, $0x1;
	s4 =	sadd.s32 s21, s2  }
0x9d: {  	[timem:s6], [sflag:s22] =	dma.local [hbm:s4], s20  }
0x9e: {  	_ =	swait.ge [sflag:s22], s20  }
0x9f: {  	s3 =	ssub.s32 $0x0, s20;
	[sflag:s22] =	ssyncset.done $0x0  }
0xa0: {  	[sflag:s22] =	ssyncadd.s32 s3;
	_ =	sdelay $0x1  }
0xa1: {  	s23 =	simm.s32 $0x1B8B  }
0xa2: {  	_ =	swait.ge [sflag:s23], $0x1  }
0xa3: {  	[sflag:s23] =	ssyncset.done $0x0  }
0xa4: {  	s25 =	simm.s32 $0x1B8E;
	s24 =	sld [smem:$0x3FFE];
	[sflag:s23] =	ssyncadd.s32 $0xFFFFFFFF  }
0xa5: {  	s26 =	simm.s32 $execute0_lowered;
	[smem:$0x3FD2] =	sst s25  }
0xa6: {  	s4 =	sshll.u32 s26, $0x1;
	_ =	strace $0x80000046;
	[dreg:$0x1] =	wrdreg $0xFFFFFFFF  }
0xa7: {  	s28 =	simm.s32 $_size_execute0_lowered;
	s2 =	sadd.s32 s2, s4;
	[dreg:$0x0] =	wrdreg $0x0  }
0xa8: {  	s4 =	sshll.u32 s28, $0x1;
	[dreg:$0x2] =	wrdreg s2  }
0xa9: {  	[dreg:$0x3] =	wrdreg s4  }
0xaa: {  	[dreg:$0x4] =	wrdreg $0xC0  }
0xab: {  	_ =	task [dreg:s6], $0x5FFFF  }
0xac: {  	[dreg:$0x1] =	wrdreg $0xFFFFFFFF  }
0xad: {  	[dreg:$0x0] =	wrdreg $0x60  }
0xae: {  	[dreg:$0x2] =	wrdreg s24  }
0xaf: {  	[dreg:$0x3] =	wrdreg $0x64000  }
0xb0: {  	[dreg:$0x4] =	wrdreg $0x9  }
0xb1: {  	_ =	task.clear_ibuf [dreg:s6], $0x5FFFF;
	_ =	strace $0x90000046  }
0xb2: {  	s29 =	simm.s32 $0x9;
	_ =	strace $0x80000048  }
0xb3: {  	_ =	swait.ge [sflag:s29], $0x1  }
0xb4: {  	[sflag:s29] =	ssyncadd.s32 $0xFFFFFFFF  }
0xb5: {  	_ =	strace $0x90000048  }
0xb6: {  	_ =	sfence  }
0xb7: {  	s30 =	sld [smem:$0x0];
	_ =	sdelay $0x2  }
0xb8: {  	s31 =	sshll.u32 s1, $0xD;
	s1 =	sshrl.u32 s1, $0x2  }
0xb9: {  	s3 =	sand.u32 $0x4000, s31;
	s1 =	sadd.s32 s1, s30  }
0xba: {  	s0 =	sor.u32 s3, s0;
	s1 =	sshll.u32 s1, $0x11  }
0xbb: {  	s0 =	sor.u32 s1, s0  }
0xbc: {  	s0 =	sadd.s32 $0x8F2B, s0  }
0xbd: {  	[sflag:s0] =	ssyncadd.remote.s32 $0x1  }
0xbe: {  	_ =	sfence.sel $0xFFFF  }
0xbf: {  	[dreg:$0x0] =	wrdreg $0xFFFFFFFF;
	(pc) =	sbr.abs _section_cstart, $3  }
0xc0: {  	[dreg:$0x1] =	wrdreg $0xFFFFFFFF  }
0xc1: {  	_ =	task.clear_ibuf [dreg:s6], $0x2FFFF;
	_ =	strace $0x9FFFFFFF  }
0xc2: {  	(tm) =	ssettm $0x7FFFFFFF  }
0xc3: {  	_ =	shalt  }
tec
execute0_lowered:
.L_overlay_start_1:
0x0: {  	(tag) =	ssettag $0x1  }
0x1: {  	s0 =	rddreg [dreg:$0x0];
	s2 =	srdreg.scid  }
0x2: {  	s3 =	stileid.u32;
	s1 =	rddreg [dreg:$0x1];
	s13 =	simm.s32 $0x7  }
0x3: {  	s16 =	simm.s32 $0x80;
	s18 =	simm.s32 $0xF080;
	s20 =	simm.s32 $0x1  }
0x4: {  	s21 =	simm.s32 $0x17080;
	s22 =	simm.s32 $0x13080;
	s23 =	simm.s32 $0x2  }
0x5: {  	s24 =	simm.s32 $0x1B080;
	s25 =	simm.s32 $0x3;
	s28 =	simm.s32 $0x4  }
0x6: {  	s29 =	simm.s32 $0x6;
	s30 =	simm.s32 $0x0;
	s4 =	sand.u32 $0x1, s2  }
0x7: {  	s5 =	sshll.u32 s3, $0x1;
	s2 =	simm.s32 $0x0;
	s26 =	sadd.s32 $0x800, s0  }
0x8: {  	s8 =	sadd.s32 $0x1C00, s1;
	p0 =	sne.s32 s3, $0x0;
	s9 =	sor.u32 s4, s5  }
0x9: {  	[smem:$0x7FF] =	sst s2;
	s7 =	ssub.s32 $0x2, s4;
	s5 =	smul.u32 $0xC80, s9  }
0xa: {  	s4 =	sadd.s32 $0x1B200, s0;
	s14 =	sshrl.u32 @!p0 s1, $0x3;
	s11 =	smul.u32 $0x6400, s9  }
.Ltmp0:
0xb: {  	_ =	strace $0x80000047;
	[dreg:$0x3] =	wrdreg s26;
	(pc) =	sbr.rel .LBB2_1-.Ltmp0, $4  }
0xc: {  	s31 =	sshrl.u32 s7, $0x1;
	s9 =	smul.u32 $0x320000, s9;
	s26 =	simm.s32 $0x5  }
0xd: {  	s6 =	sadd.s32 s5, s0;
	s5 =	sadd.s32 $0x1A1C00, s0;
	s0 =	ssub.s32 s7, s31  }
0xe: {  	s7 =	sadd.s32 $0x4000, s1;
	s10 =	sor.u32 $0x80, s11;
	s6 =	sadd.s32 $0x2200, s6  }
0xf: {  	s11 =	sor.u32 $0x100, s11;
	s12 =	smax.u32 s0, $0x1;
	[dreg:$0x4] =	wrdreg s6  }
.LBB2_12:
0x10: {  	s30 =	sadd.s32 $0x1, s30  }
0x11: {  	_ =	swait.ge [sflag:s26], $0x4000;
	p1 =	sne.s32 s30, s12  }
.Ltmp1:
0x12: {  	[sflag:s26] =	ssyncset.done $0x0;
	(pc) =	sbr.rel @!p1 .LBB2_13-.Ltmp1, $4  }
0x13: {  	[sflag:s26] =	ssyncadd.s32 $0xFFFFC000  }
0x14: {  	_ =	swait.ge [sflag:s29], $0x4000  }
0x15: {  	[sflag:s29] =	ssyncset.done $0x0  }
0x16: {  	[sflag:s29] =	ssyncadd.s32 $0xFFFFC000  }
.LBB2_1:
0x17: {  	s0 =	rddreg [dreg:$0x4]  }
0x18: {  	[tilespmem:s2], [sflag:$0x7] =	stream.linear.gather [hbm4b:s0+s2], $0x6400, $0x38;
	[tilespmem:$0x1F080] =	vst v63  }
0x19: {  	_ =	swait.ge [sflag:s13], $0x6400  }
0x1a: {  	[sflag:s13] =	ssyncset.done $0x0  }
0x1b: {  	s0 =	simm.s32 @!p0 $0x1C07;
	s3 =	rddreg [dreg:$0x3];
	[sflag:s13] =	ssyncadd.s32 $0xFFFF9C00  }
0x1c: {  	[spmem:s14], [sflag:s0] =	dma.local @!p0 [hbm:s3], $0x1900  }
0x1d: {  	s0 =	simm.s32 @!p0 $0x7  }
0x1e: {  	_ =	swait.ge @!p0 [sflag:s0], $0x1900  }
0x1f: {  	[sflag:s0] =	ssyncset.done @!p0 $0x0  }
0x20: {  	[sflag:s0] =	ssyncadd.s32 @!p0 $0xFFFFE700  }
0x21: {  	s15 =	simm.s32 $0x7080;
	[bflag:$0x0] =	sbarrier.arrive $0xFFFF  }
0x22: {  	[tilespmem:s15], [sflag:$0x7] =	stream.linear.gather [spmem:s1], $0x4000, $0x38;
	[tilespmem:$0x1F080] =	vst v63  }
0x23: {  	_ =	swait.ge [sflag:s13], $0x4000  }
0x24: {  	[sflag:s13] =	ssyncset.done $0x0  }
0x25: {  	[sflag:s13] =	ssyncadd.s32 $0xFFFFC000  }
0x26: {  	[tilespmem:s15], [sflag:$0x1] =	stream.indirect.gather.add.f32 [hbm:s4], $0x80, s2, s16, $0xb8;
	[tilespmem:$0x1F080] =	vst v63  }
0x27: {  	s17 =	simm.s32 $0xB080  }
0x28: {  	[tilespmem:s17], [sflag:$0x7] =	stream.linear.gather [spmem:s7], $0x4000, $0x38;
	[tilespmem:$0x1F080] =	vst v63  }
0x29: {  	_ =	swait.ge [sflag:s13], $0x4000  }
0x2a: {  	[sflag:s13] =	ssyncset.done $0x0  }
0x2b: {  	[sflag:s13] =	ssyncadd.s32 $0xFFFFC000  }
0x2c: {  	[tilespmem:s17], [sflag:$0x2] =	stream.indirect.gather.add.f32 [hbm:s4], $0x80, s16, s16, $0xb8;
	[tilespmem:$0x1F080] =	vst v63  }
0x2d: {  	_ = 	snop  }
0x2e: {  	[tilespmem:s18], [sflag:$0x7] =	stream.linear.gather [spmem:s8], $0x4000, $0x38;
	[tilespmem:$0x1F080] =	vst v63  }
0x2f: {  	_ =	swait.ge [sflag:s13], $0x4000  }
0x30: {  	[sflag:s13] =	ssyncset.done $0x0  }
0x31: {  	s19 =	simm.s32 $0x100;
	s31 =	simm.s32 $0x0;
	[sflag:s13] =	ssyncadd.s32 $0xFFFFC000  }
0x32: {  	[tilespmem:s18], [sflag:$0x3] =	stream.indirect.gather.add.f32 [hbm:s4], $0x80, s19, s16, $0xb8;
	[tilespmem:$0x1F080] =	vst v63  }
.LBB2_2:
0x33: {  	_ =	swait.ge [sflag:s20], $0x4000  }
0x34: {  	p1 =	seq.s32 s31, $0x0;
	[sflag:s20] =	ssyncset.done $0x0  }
0x35: {  	s0 =	simm.s32 @!p1 $0x5;
	[sflag:s20] =	ssyncadd.s32 $0xFFFFC000  }
0x36: {  	_ =	swait.ge @!p1 [sflag:s0], $0x4000  }
0x37: {  	[sflag:s0] =	ssyncset.done @!p1 $0x0  }
0x38: {  	s15 =	simm.s32 $0x7280;
	[sflag:s0] =	ssyncadd.s32 @!p1 $0xFFFFC000  }
0x39: {  	v0 =	vld [tilespmem:s15+$0x180]  }
0x3a: {  	v1 =	vld [tilespmem:s15+$0xFFFFFE80]  }
0x3b: {  	v2 =	vld [tilespmem:s15+$0xFFFFFF00]  }
0x3c: {  	v3 =	vld [tilespmem:s15+$0xFFFFFF80]  }
0x3d: {  	s19 =	simm.s32 $0x17280;
	v4 =	vld [tilespmem:s15+$0x0]  }
0x3e: {  	v5 =	vld [tilespmem:s15+$0x80];
	[tilespmem:s19+$0x180] =	vst v0  }
0x3f: {  	[tilespmem:s19+$0xFFFFFE80] =	vst v1;
	v1 =	vld [tilespmem:s15+$0x100]  }
0x40: {  	[tilespmem:s19+$0xFFFFFF00] =	vst v2;
	v2 =	vld [tilespmem:s15+$0xFFFFFE00]  }
0x41: {  	[tilespmem:s19+$0xFFFFFF80] =	vst v3;
	v0 =	vld [tilespmem:s15+$0x190]  }
0x42: {  	[tilespmem:s19+$0x0] =	vst v4;
	v3 =	vld [tilespmem:s15+$0xFFFFFE90]  }
0x43: {  	[tilespmem:s19+$0x80] =	vst v5;
	v4 =	vld [tilespmem:s15+$0xFFFFFF10]  }
0x44: {  	v5 =	vld [tilespmem:s15+$0xFFFFFF90];
	[tilespmem:s19+$0x100] =	vst v1  }
0x45: {  	[tilespmem:s19+$0xFFFFFE00] =	vst v2;
	v1 =	vld [tilespmem:s15+$0x10]  }
0x46: {  	[tilespmem:s19+$0x190] =	vst v0;
	v2 =	vld [tilespmem:s15+$0xFFFFFE10]  }
0x47: {  	[tilespmem:s19+$0xFFFFFE90] =	vst v3;
	v3 =	vld [tilespmem:s15+$0x90]  }
0x48: {  	[tilespmem:s19+$0xFFFFFF10] =	vst v4;
	v4 =	vld [tilespmem:s15+$0x110]  }
0x49: {  	[tilespmem:s19+$0xFFFFFF90] =	vst v5;
	v0 =	vld [tilespmem:s15+$0x1A0]  }
0x4a: {  	v5 =	vld [tilespmem:s15+$0xFFFFFEA0];
	[tilespmem:s19+$0x10] =	vst v1  }
0x4b: {  	v1 =	vld [tilespmem:s15+$0xFFFFFF20];
	[tilespmem:s19+$0xFFFFFE10] =	vst v2  }
0x4c: {  	[tilespmem:s19+$0x90] =	vst v3;
	v3 =	vld [tilespmem:s15+$0xFFFFFFA0]  }
0x4d: {  	[tilespmem:s19+$0x110] =	vst v4;
	v2 =	vld [tilespmem:s15+$0xFFFFFE20]  }
0x4e: {  	v4 =	vld [tilespmem:s15+$0x20];
	[tilespmem:s19+$0x1A0] =	vst v0  }
0x4f: {  	[tilespmem:s19+$0xFFFFFEA0] =	vst v5;
	v5 =	vld [tilespmem:s15+$0xA0]  }
0x50: {  	v6 =	vld [tilespmem:s15+$0x120];
	[tilespmem:s19+$0xFFFFFF20] =	vst v1  }
0x51: {  	v0 =	vld [tilespmem:s15+$0x1B0];
	[tilespmem:s19+$0xFFFFFFA0] =	vst v3  }
0x52: {  	v7 =	vld [tilespmem:s15+$0xFFFFFEB0];
	[tilespmem:s19+$0xFFFFFE20] =	vst v2  }
0x53: {  	[tilespmem:s19+$0x20] =	vst v4;
	v8 =	vld [tilespmem:s15+$0xFFFFFE30]  }
0x54: {  	v2 =	vld [tilespmem:s15+$0xFFFFFF30];
	[tilespmem:s19+$0xA0] =	vst v5  }
0x55: {  	v1 =	vld [tilespmem:s15+$0xFFFFFFB0];
	[tilespmem:s19+$0x120] =	vst v6  }
0x56: {  	[tilespmem:s19+$0x1B0] =	vst v0;
	v0 =	vld [tilespmem:s15+$0x30]  }
0x57: {  	[tilespmem:s19+$0xFFFFFEB0] =	vst v7;
	v3 =	vld [tilespmem:s15+$0xB0]  }
0x58: {  	s3 =	simm.s32 $0x0;
	s0 =	sshll.u32 s31, $0x2;
	v4 =	vld [tilespmem:s15+$0x130];
	s15 =	simm.s32 $0x7680;
	[tilespmem:s19+$0xFFFFFE30] =	vst v8  }
.LBB2_3:
0x59: {  	v5 =	vld [tilespmem:s15+$0x180];
	s3 =	sadd.s32 $0x8, s3;
	[tilespmem:s19+$0xFFFFFF30] =	vst v2  }
0x5a: {  	v2 =	vld [tilespmem:s15+$0xFFFFFE80];
	p2 =	slt.u32 s3, $0x78;
	[tilespmem:s19+$0xFFFFFFB0] =	vst v1  }
0x5b: {  	v1 =	vld [tilespmem:s15+$0xFFFFFF00];
	[tilespmem:s19+$0x30] =	vst v0  }
0x5c: {  	v0 =	vld [tilespmem:s15+$0xFFFFFF80];
	[tilespmem:s19+$0xB0] =	vst v3  }
0x5d: {  	v3 =	vld [tilespmem:s15+$0x0];
	[tilespmem:s19+$0x130] =	vst v4;
	s19 =	sadd.s32 $0x400, s19  }
0x5e: {  	v4 =	vld [tilespmem:s15+$0x80];
	[tilespmem:s19+$0x180] =	vst v5  }
0x5f: {  	[tilespmem:s19+$0xFFFFFE80] =	vst v2;
	v2 =	vld [tilespmem:s15+$0x190]  }
0x60: {  	[tilespmem:s19+$0xFFFFFF00] =	vst v1;
	v1 =	vld [tilespmem:s15+$0x100]  }
0x61: {  	v5 =	vld [tilespmem:s15+$0xFFFFFE00];
	[tilespmem:s19+$0xFFFFFF80] =	vst v0  }
0x62: {  	v0 =	vld [tilespmem:s15+$0xFFFFFE90];
	[tilespmem:s19+$0x0] =	vst v3  }
0x63: {  	v3 =	vld [tilespmem:s15+$0xFFFFFF10];
	[tilespmem:s19+$0x80] =	vst v4  }
0x64: {  	v4 =	vld [tilespmem:s15+$0xFFFFFF90];
	[tilespmem:s19+$0x190] =	vst v2  }
0x65: {  	[tilespmem:s19+$0x100] =	vst v1;
	v1 =	vld [tilespmem:s15+$0x1A0]  }
0x66: {  	[tilespmem:s19+$0xFFFFFE00] =	vst v5;
	v2 =	vld [tilespmem:s15+$0x10]  }
0x67: {  	v5 =	vld [tilespmem:s15+$0xFFFFFE10];
	[tilespmem:s19+$0xFFFFFE90] =	vst v0  }
0x68: {  	[tilespmem:s19+$0xFFFFFF10] =	vst v3;
	v0 =	vld [tilespmem:s15+$0x90]  }
0x69: {  	[tilespmem:s19+$0xFFFFFF90] =	vst v4;
	v3 =	vld [tilespmem:s15+$0x110]  }
0x6a: {  	v4 =	vld [tilespmem:s15+$0xFFFFFEA0];
	[tilespmem:s19+$0x1A0] =	vst v1  }
0x6b: {  	[tilespmem:s19+$0x10] =	vst v2;
	v1 =	vld [tilespmem:s15+$0x1B0]  }
0x6c: {  	[tilespmem:s19+$0xFFFFFE10] =	vst v5;
	v2 =	vld [tilespmem:s15+$0xFFFFFF20]  }
0x6d: {  	v5 =	vld [tilespmem:s15+$0xFFFFFE20];
	[tilespmem:s19+$0x90] =	vst v0  }
0x6e: {  	v0 =	vld [tilespmem:s15+$0xFFFFFFA0];
	[tilespmem:s19+$0x110] =	vst v3  }
0x6f: {  	[tilespmem:s19+$0xFFFFFEA0] =	vst v4;
	v3 =	vld [tilespmem:s15+$0x20]  }
0x70: {  	v4 =	vld [tilespmem:s15+$0xA0];
	[tilespmem:s19+$0x1B0] =	vst v1  }
0x71: {  	[tilespmem:s19+$0xFFFFFF20] =	vst v2;
	v6 =	vld [tilespmem:s15+$0x120]  }
0x72: {  	[tilespmem:s19+$0xFFFFFE20] =	vst v5;
	v5 =	vld [tilespmem:s15+$0xFFFFFEB0]  }
0x73: {  	v7 =	vld [tilespmem:s15+$0xFFFFFE30];
	[tilespmem:s19+$0xFFFFFFA0] =	vst v0  }
.Ltmp2:
0x74: {  	v2 =	vld [tilespmem:s15+$0xFFFFFF30];
	[tilespmem:s19+$0x20] =	vst v3;
	(pc) =	sbr.rel @p2 .LBB2_3-.Ltmp2, $4  }
0x75: {  	v1 =	vld [tilespmem:s15+$0xFFFFFFB0];
	[tilespmem:s19+$0xA0] =	vst v4  }
0x76: {  	v0 =	vld [tilespmem:s15+$0x30];
	[tilespmem:s19+$0x120] =	vst v6  }
0x77: {  	[tilespmem:s19+$0xFFFFFEB0] =	vst v5;
	v3 =	vld [tilespmem:s15+$0xB0]  }
0x78: {  	[tilespmem:s19+$0xFFFFFE30] =	vst v7;
	v4 =	vld [tilespmem:s15+$0x130];
	s15 =	sadd.s32 $0x400, s15  }
0x79: {  	s0 =	sor.u32 $0x3, s0  }
0x7a: {  	[tilespmem:s19+$0xFFFFFF30] =	vst v2;
	s3 =	sshll.u32 s0, $0x7  }
0x7b: {  	s15 =	sshll.u32 s31, $0x10;
	[tilespmem:s19+$0xFFFFFFB0] =	vst v1;
	s17 =	smulhi.u32 $0x51EB851F, s3  }
0x7c: {  	s15 =	sadd.s32 s9, s15;
	[tilespmem:s19+$0x30] =	vst v0  }
0x7d: {  	s15 =	sshrl.u32 s15, $0x3;
	[tilespmem:s19+$0xB0] =	vst v3;
	s17 =	sshrl.u32 s17, $0x6  }
0x7e: {  	s15 =	sadd.s32 s5, s15;
	[tilespmem:s19+$0x130] =	vst v4;
	s17 =	smul.u32 $0xC8, s17  }
0x7f: {  	[hbm4b:s15+s2] =	stream.linear.scatter [tilespmem:s21], [sflag:$0x5], $0x4000, $0x38;
	[tilespmem:$0x1F080] =	vst v63  }
0x80: {  	s6 =	ssub.s32 s3, s17  }
0x81: {  	s15 =	sshll.u32 s6, $0x7  }
0x82: {  	s15 =	sadd.s32 s15, s1  }
0x83: {  	[tilespmem:s22], [sflag:$0x7] =	stream.linear.gather [spmem:s15], $0x4000, $0x38;
	[tilespmem:$0x1F080] =	vst v63  }
0x84: {  	_ =	swait.ge [sflag:s13], $0x4000  }
0x85: {  	[sflag:s13] =	ssyncset.done $0x0  }
0x86: {  	[sflag:s13] =	ssyncadd.s32 $0xFFFFC000  }
0x87: {  	[tilespmem:s22], [sflag:$0x4] =	stream.indirect.gather.add.f32 [hbm:s4], $0x80, s3, s16, $0xb8;
	[tilespmem:$0x1F080] =	vst v63  }
0x88: {  	_ =	swait.ge [sflag:s23], $0x4000  }
0x89: {  	[sflag:s23] =	ssyncset.done $0x0  }
0x8a: {  	s3 =	simm.s32 @!p1 $0x6;
	[sflag:s23] =	ssyncadd.s32 $0xFFFFC000  }
0x8b: {  	_ =	swait.ge @!p1 [sflag:s3], $0x4000  }
0x8c: {  	[sflag:s3] =	ssyncset.done @!p1 $0x0  }
0x8d: {  	s17 =	simm.s32 $0xB280;
	[sflag:s3] =	ssyncadd.s32 @!p1 $0xFFFFC000  }
0x8e: {  	v0 =	vld [tilespmem:s17+$0x180]  }
0x8f: {  	v1 =	vld [tilespmem:s17+$0xFFFFFE80]  }
0x90: {  	v2 =	vld [tilespmem:s17+$0xFFFFFF00]  }
0x91: {  	v3 =	vld [tilespmem:s17+$0xFFFFFF80]  }
0x92: {  	s3 =	simm.s32 $0x1B280;
	v4 =	vld [tilespmem:s17+$0x0]  }
0x93: {  	v5 =	vld [tilespmem:s17+$0x80];
	[tilespmem:s3+$0x180] =	vst v0  }
0x94: {  	[tilespmem:s3+$0xFFFFFE80] =	vst v1;
	v1 =	vld [tilespmem:s17+$0x100]  }
0x95: {  	[tilespmem:s3+$0xFFFFFF00] =	vst v2;
	v2 =	vld [tilespmem:s17+$0xFFFFFE00]  }
0x96: {  	[tilespmem:s3+$0xFFFFFF80] =	vst v3;
	v0 =	vld [tilespmem:s17+$0x190]  }
0x97: {  	[tilespmem:s3+$0x0] =	vst v4;
	v3 =	vld [tilespmem:s17+$0xFFFFFE90]  }
0x98: {  	[tilespmem:s3+$0x80] =	vst v5;
	v4 =	vld [tilespmem:s17+$0xFFFFFF10]  }
0x99: {  	v5 =	vld [tilespmem:s17+$0xFFFFFF90];
	[tilespmem:s3+$0x100] =	vst v1  }
0x9a: {  	[tilespmem:s3+$0xFFFFFE00] =	vst v2;
	v1 =	vld [tilespmem:s17+$0x10]  }
0x9b: {  	[tilespmem:s3+$0x190] =	vst v0;
	v2 =	vld [tilespmem:s17+$0xFFFFFE10]  }
0x9c: {  	[tilespmem:s3+$0xFFFFFE90] =	vst v3;
	v3 =	vld [tilespmem:s17+$0x90]  }
0x9d: {  	[tilespmem:s3+$0xFFFFFF10] =	vst v4;
	v4 =	vld [tilespmem:s17+$0x110]  }
0x9e: {  	[tilespmem:s3+$0xFFFFFF90] =	vst v5;
	v0 =	vld [tilespmem:s17+$0x1A0]  }
0x9f: {  	v5 =	vld [tilespmem:s17+$0xFFFFFEA0];
	[tilespmem:s3+$0x10] =	vst v1  }
0xa0: {  	v1 =	vld [tilespmem:s17+$0xFFFFFF20];
	[tilespmem:s3+$0xFFFFFE10] =	vst v2  }
0xa1: {  	[tilespmem:s3+$0x90] =	vst v3;
	v3 =	vld [tilespmem:s17+$0xFFFFFFA0]  }
0xa2: {  	[tilespmem:s3+$0x110] =	vst v4;
	v2 =	vld [tilespmem:s17+$0xFFFFFE20]  }
0xa3: {  	v4 =	vld [tilespmem:s17+$0x20];
	[tilespmem:s3+$0x1A0] =	vst v0  }
0xa4: {  	[tilespmem:s3+$0xFFFFFEA0] =	vst v5;
	v5 =	vld [tilespmem:s17+$0xA0]  }
0xa5: {  	v0 =	vld [tilespmem:s17+$0x1B0];
	[tilespmem:s3+$0xFFFFFF20] =	vst v1  }
0xa6: {  	v6 =	vld [tilespmem:s17+$0x120];
	[tilespmem:s3+$0xFFFFFFA0] =	vst v3  }
0xa7: {  	v7 =	vld [tilespmem:s17+$0xFFFFFEB0];
	[tilespmem:s3+$0xFFFFFE20] =	vst v2  }
0xa8: {  	[tilespmem:s3+$0x20] =	vst v4;
	v8 =	vld [tilespmem:s17+$0xFFFFFE30]  }
0xa9: {  	v2 =	vld [tilespmem:s17+$0xFFFFFF30];
	[tilespmem:s3+$0xA0] =	vst v5  }
0xaa: {  	[tilespmem:s3+$0x1B0] =	vst v0;
	v0 =	vld [tilespmem:s17+$0xFFFFFFB0]  }
0xab: {  	v1 =	vld [tilespmem:s17+$0x30];
	[tilespmem:s3+$0x120] =	vst v6  }
0xac: {  	[tilespmem:s3+$0xFFFFFEB0] =	vst v7;
	v3 =	vld [tilespmem:s17+$0xB0]  }
0xad: {  	s19 =	simm.s32 $0x0;
	s15 =	simm.s32 $0xB680;
	v4 =	vld [tilespmem:s17+$0x130];
	[tilespmem:s3+$0xFFFFFE30] =	vst v8  }
.LBB2_5:
0xae: {  	v5 =	vld [tilespmem:s15+$0x180];
	s19 =	sadd.s32 $0x8, s19;
	[tilespmem:s3+$0xFFFFFF30] =	vst v2  }
0xaf: {  	v2 =	vld [tilespmem:s15+$0xFFFFFE80];
	p1 =	slt.u32 s19, $0x78;
	[tilespmem:s3+$0xFFFFFFB0] =	vst v0  }
0xb0: {  	v0 =	vld [tilespmem:s15+$0xFFFFFF00];
	[tilespmem:s3+$0x30] =	vst v1  }
0xb1: {  	v1 =	vld [tilespmem:s15+$0xFFFFFF80];
	[tilespmem:s3+$0xB0] =	vst v3  }
0xb2: {  	v3 =	vld [tilespmem:s15+$0x0];
	[tilespmem:s3+$0x130] =	vst v4;
	s3 =	sadd.s32 $0x400, s3  }
0xb3: {  	v4 =	vld [tilespmem:s15+$0x80];
	[tilespmem:s3+$0x180] =	vst v5  }
0xb4: {  	[tilespmem:s3+$0xFFFFFE80] =	vst v2;
	v2 =	vld [tilespmem:s15+$0x190]  }
0xb5: {  	[tilespmem:s3+$0xFFFFFF00] =	vst v0;
	v0 =	vld [tilespmem:s15+$0x100]  }
0xb6: {  	v5 =	vld [tilespmem:s15+$0xFFFFFE00];
	[tilespmem:s3+$0xFFFFFF80] =	vst v1  }
0xb7: {  	v1 =	vld [tilespmem:s15+$0xFFFFFE90];
	[tilespmem:s3+$0x0] =	vst v3  }
0xb8: {  	v3 =	vld [tilespmem:s15+$0xFFFFFF10];
	[tilespmem:s3+$0x80] =	vst v4  }
0xb9: {  	v4 =	vld [tilespmem:s15+$0xFFFFFF90];
	[tilespmem:s3+$0x190] =	vst v2  }
0xba: {  	[tilespmem:s3+$0x100] =	vst v0;
	v0 =	vld [tilespmem:s15+$0x1A0]  }
0xbb: {  	[tilespmem:s3+$0xFFFFFE00] =	vst v5;
	v2 =	vld [tilespmem:s15+$0x10]  }
0xbc: {  	v5 =	vld [tilespmem:s15+$0xFFFFFE10];
	[tilespmem:s3+$0xFFFFFE90] =	vst v1  }
0xbd: {  	[tilespmem:s3+$0xFFFFFF10] =	vst v3;
	v1 =	vld [tilespmem:s15+$0x90]  }
0xbe: {  	[tilespmem:s3+$0xFFFFFF90] =	vst v4;
	v3 =	vld [tilespmem:s15+$0x110]  }
0xbf: {  	v4 =	vld [tilespmem:s15+$0xFFFFFEA0];
	[tilespmem:s3+$0x1A0] =	vst v0  }
0xc0: {  	[tilespmem:s3+$0x10] =	vst v2;
	v0 =	vld [tilespmem:s15+$0x1B0]  }
0xc1: {  	[tilespmem:s3+$0xFFFFFE10] =	vst v5;
	v2 =	vld [tilespmem:s15+$0xFFFFFF20]  }
0xc2: {  	v5 =	vld [tilespmem:s15+$0xFFFFFE20];
	[tilespmem:s3+$0x90] =	vst v1  }
0xc3: {  	v1 =	vld [tilespmem:s15+$0xFFFFFFA0];
	[tilespmem:s3+$0x110] =	vst v3  }
0xc4: {  	[tilespmem:s3+$0xFFFFFEA0] =	vst v4;
	v3 =	vld [tilespmem:s15+$0x20]  }
0xc5: {  	v4 =	vld [tilespmem:s15+$0xA0];
	[tilespmem:s3+$0x1B0] =	vst v0  }
0xc6: {  	[tilespmem:s3+$0xFFFFFF20] =	vst v2;
	v6 =	vld [tilespmem:s15+$0x120]  }
0xc7: {  	[tilespmem:s3+$0xFFFFFE20] =	vst v5;
	v5 =	vld [tilespmem:s15+$0xFFFFFEB0]  }
0xc8: {  	v7 =	vld [tilespmem:s15+$0xFFFFFE30];
	[tilespmem:s3+$0xFFFFFFA0] =	vst v1  }
.Ltmp3:
0xc9: {  	v2 =	vld [tilespmem:s15+$0xFFFFFF30];
	[tilespmem:s3+$0x20] =	vst v3;
	(pc) =	sbr.rel @p1 .LBB2_5-.Ltmp3, $4  }
0xca: {  	v0 =	vld [tilespmem:s15+$0xFFFFFFB0];
	[tilespmem:s3+$0xA0] =	vst v4  }
0xcb: {  	v1 =	vld [tilespmem:s15+$0x30];
	[tilespmem:s3+$0x120] =	vst v6  }
0xcc: {  	[tilespmem:s3+$0xFFFFFEB0] =	vst v5;
	v3 =	vld [tilespmem:s15+$0xB0]  }
0xcd: {  	[tilespmem:s3+$0xFFFFFE30] =	vst v7;
	v4 =	vld [tilespmem:s15+$0x130];
	s15 =	sadd.s32 $0x400, s15  }
0xce: {  	s19 =	sshll.u32 s31, $0x9;
	p1 =	seq.s32 s31, $0x31  }
0xcf: {  	[tilespmem:s3+$0xFFFFFF30] =	vst v2;
	s15 =	sadd.s32 @!p1 $0x200, s19  }
0xd0: {  	[tilespmem:s3+$0xFFFFFFB0] =	vst v0;
	s17 =	smulhi.u32 @!p1 $0x51EB851F, s15  }
0xd1: {  	s6 =	sadd.s32 s19, s10;
	[tilespmem:s3+$0x30] =	vst v1  }
0xd2: {  	s6 =	sshll.u32 s6, $0x4;
	[tilespmem:s3+$0xB0] =	vst v3;
	s17 =	sshrl.u32 @!p1 s17, $0x6  }
0xd3: {  	[tilespmem:s3+$0x130] =	vst v4;
	s3 =	sadd.s32 s5, s6;
	s6 =	smul.u32 @!p1 $0xC8, s17  }
0xd4: {  	[hbm4b:s3+s2] =	stream.linear.scatter [tilespmem:s24], [sflag:$0x6], $0x4000, $0x38;
	[tilespmem:$0x1F080] =	vst v63  }
0xd5: {  	s3 =	ssub.s32 @!p1 s15, s6  }
0xd6: {  	s3 =	sshll.u32 @!p1 s3, $0x7  }
0xd7: {  	s6 =	simm.s32 @!p1 $0x7080;
	s3 =	sadd.s32 @!p1 s3, s1  }
0xd8: {  	[tilespmem:s6], [sflag:$0x7] =	stream.linear.gather @!p1 [spmem:s3], $0x4000, $0x38;
	[tilespmem:$0x1F080] =	vst v63  }
0xd9: {  	s3 =	simm.s32 @!p1 $0x7  }
0xda: {  	_ =	swait.ge @!p1 [sflag:s3], $0x4000  }
0xdb: {  	[sflag:s3] =	ssyncset.done @!p1 $0x0  }
0xdc: {  	[sflag:s3] =	ssyncadd.s32 @!p1 $0xFFFFC000;
	s3 =	simm.s32 @!p1 $0x80  }
0xdd: {  	[tilespmem:s6], [sflag:$0x1] =	stream.indirect.gather.add.f32 @!p1 [hbm:s4], $0x80, s15, s3, $0xb8;
	[tilespmem:$0x1F080] =	vst v63  }
0xde: {  	_ =	swait.ge [sflag:s25], $0x4000  }
0xdf: {  	[sflag:s25] =	ssyncset.done $0x0  }
0xe0: {  	[sflag:s25] =	ssyncadd.s32 $0xFFFFC000  }
0xe1: {  	_ =	swait.ge [sflag:s26], $0x4000  }
0xe2: {  	[sflag:s26] =	ssyncset.done $0x0  }
0xe3: {  	s17 =	simm.s32 $0xF280;
	[sflag:s26] =	ssyncadd.s32 $0xFFFFC000  }
0xe4: {  	v0 =	vld [tilespmem:s17+$0x180]  }
0xe5: {  	v1 =	vld [tilespmem:s17+$0xFFFFFE80]  }
0xe6: {  	v2 =	vld [tilespmem:s17+$0xFFFFFF00]  }
0xe7: {  	v3 =	vld [tilespmem:s17+$0xFFFFFF80]  }
0xe8: {  	s3 =	simm.s32 $0x17280;
	v4 =	vld [tilespmem:s17+$0x0]  }
0xe9: {  	v5 =	vld [tilespmem:s17+$0x80];
	[tilespmem:s3+$0x180] =	vst v0  }
0xea: {  	[tilespmem:s3+$0xFFFFFE80] =	vst v1;
	v1 =	vld [tilespmem:s17+$0x100]  }
0xeb: {  	[tilespmem:s3+$0xFFFFFF00] =	vst v2;
	v2 =	vld [tilespmem:s17+$0xFFFFFE00]  }
0xec: {  	[tilespmem:s3+$0xFFFFFF80] =	vst v3;
	v0 =	vld [tilespmem:s17+$0x190]  }
0xed: {  	[tilespmem:s3+$0x0] =	vst v4;
	v3 =	vld [tilespmem:s17+$0xFFFFFE90]  }
0xee: {  	[tilespmem:s3+$0x80] =	vst v5;
	v4 =	vld [tilespmem:s17+$0xFFFFFF10]  }
0xef: {  	v5 =	vld [tilespmem:s17+$0xFFFFFF90];
	[tilespmem:s3+$0x100] =	vst v1  }
0xf0: {  	[tilespmem:s3+$0xFFFFFE00] =	vst v2;
	v1 =	vld [tilespmem:s17+$0x10]  }
0xf1: {  	[tilespmem:s3+$0x190] =	vst v0;
	v2 =	vld [tilespmem:s17+$0xFFFFFE10]  }
0xf2: {  	[tilespmem:s3+$0xFFFFFE90] =	vst v3;
	v3 =	vld [tilespmem:s17+$0x90]  }
0xf3: {  	[tilespmem:s3+$0xFFFFFF10] =	vst v4;
	v4 =	vld [tilespmem:s17+$0x110]  }
0xf4: {  	[tilespmem:s3+$0xFFFFFF90] =	vst v5;
	v0 =	vld [tilespmem:s17+$0x1A0]  }
0xf5: {  	v5 =	vld [tilespmem:s17+$0xFFFFFEA0];
	[tilespmem:s3+$0x10] =	vst v1  }
0xf6: {  	v1 =	vld [tilespmem:s17+$0xFFFFFF20];
	[tilespmem:s3+$0xFFFFFE10] =	vst v2  }
0xf7: {  	[tilespmem:s3+$0x90] =	vst v3;
	v3 =	vld [tilespmem:s17+$0xFFFFFFA0]  }
0xf8: {  	[tilespmem:s3+$0x110] =	vst v4;
	v2 =	vld [tilespmem:s17+$0xFFFFFE20]  }
0xf9: {  	v4 =	vld [tilespmem:s17+$0x20];
	[tilespmem:s3+$0x1A0] =	vst v0  }
0xfa: {  	[tilespmem:s3+$0xFFFFFEA0] =	vst v5;
	v5 =	vld [tilespmem:s17+$0xA0]  }
0xfb: {  	v0 =	vld [tilespmem:s17+$0x1B0];
	[tilespmem:s3+$0xFFFFFF20] =	vst v1  }
0xfc: {  	v6 =	vld [tilespmem:s17+$0x120];
	[tilespmem:s3+$0xFFFFFFA0] =	vst v3  }
0xfd: {  	v7 =	vld [tilespmem:s17+$0xFFFFFEB0];
	[tilespmem:s3+$0xFFFFFE20] =	vst v2  }
0xfe: {  	[tilespmem:s3+$0x20] =	vst v4;
	v8 =	vld [tilespmem:s17+$0xFFFFFE30]  }
0xff: {  	v2 =	vld [tilespmem:s17+$0xFFFFFF30];
	[tilespmem:s3+$0xA0] =	vst v5  }
0x100: {  	[tilespmem:s3+$0x1B0] =	vst v0;
	v0 =	vld [tilespmem:s17+$0xFFFFFFB0]  }
0x101: {  	v1 =	vld [tilespmem:s17+$0x30];
	[tilespmem:s3+$0x120] =	vst v6  }
0x102: {  	[tilespmem:s3+$0xFFFFFEB0] =	vst v7;
	v3 =	vld [tilespmem:s17+$0xB0]  }
0x103: {  	s15 =	simm.s32 $0x0;
	v4 =	vld [tilespmem:s17+$0x130];
	s17 =	simm.s32 $0xF680;
	[tilespmem:s3+$0xFFFFFE30] =	vst v8  }
.LBB2_7:
0x104: {  	v5 =	vld [tilespmem:s17+$0x180];
	s15 =	sadd.s32 $0x8, s15;
	[tilespmem:s3+$0xFFFFFF30] =	vst v2  }
0x105: {  	v2 =	vld [tilespmem:s17+$0xFFFFFE80];
	p2 =	slt.u32 s15, $0x78;
	[tilespmem:s3+$0xFFFFFFB0] =	vst v0  }
0x106: {  	v0 =	vld [tilespmem:s17+$0xFFFFFF00];
	[tilespmem:s3+$0x30] =	vst v1  }
0x107: {  	v1 =	vld [tilespmem:s17+$0xFFFFFF80];
	[tilespmem:s3+$0xB0] =	vst v3  }
0x108: {  	v3 =	vld [tilespmem:s17+$0x0];
	[tilespmem:s3+$0x130] =	vst v4;
	s3 =	sadd.s32 $0x400, s3  }
0x109: {  	v4 =	vld [tilespmem:s17+$0x80];
	[tilespmem:s3+$0x180] =	vst v5  }
0x10a: {  	[tilespmem:s3+$0xFFFFFE80] =	vst v2;
	v2 =	vld [tilespmem:s17+$0x190]  }
0x10b: {  	[tilespmem:s3+$0xFFFFFF00] =	vst v0;
	v0 =	vld [tilespmem:s17+$0x100]  }
0x10c: {  	v5 =	vld [tilespmem:s17+$0xFFFFFE00];
	[tilespmem:s3+$0xFFFFFF80] =	vst v1  }
0x10d: {  	v1 =	vld [tilespmem:s17+$0xFFFFFE90];
	[tilespmem:s3+$0x0] =	vst v3  }
0x10e: {  	v3 =	vld [tilespmem:s17+$0xFFFFFF10];
	[tilespmem:s3+$0x80] =	vst v4  }
0x10f: {  	v4 =	vld [tilespmem:s17+$0xFFFFFF90];
	[tilespmem:s3+$0x190] =	vst v2  }
0x110: {  	[tilespmem:s3+$0x100] =	vst v0;
	v0 =	vld [tilespmem:s17+$0x1A0]  }
0x111: {  	[tilespmem:s3+$0xFFFFFE00] =	vst v5;
	v2 =	vld [tilespmem:s17+$0x10]  }
0x112: {  	v5 =	vld [tilespmem:s17+$0xFFFFFE10];
	[tilespmem:s3+$0xFFFFFE90] =	vst v1  }
0x113: {  	[tilespmem:s3+$0xFFFFFF10] =	vst v3;
	v1 =	vld [tilespmem:s17+$0x90]  }
0x114: {  	[tilespmem:s3+$0xFFFFFF90] =	vst v4;
	v3 =	vld [tilespmem:s17+$0x110]  }
0x115: {  	v4 =	vld [tilespmem:s17+$0xFFFFFEA0];
	[tilespmem:s3+$0x1A0] =	vst v0  }
0x116: {  	[tilespmem:s3+$0x10] =	vst v2;
	v0 =	vld [tilespmem:s17+$0x1B0]  }
0x117: {  	[tilespmem:s3+$0xFFFFFE10] =	vst v5;
	v2 =	vld [tilespmem:s17+$0xFFFFFF20]  }
0x118: {  	v5 =	vld [tilespmem:s17+$0xFFFFFE20];
	[tilespmem:s3+$0x90] =	vst v1  }
0x119: {  	v1 =	vld [tilespmem:s17+$0xFFFFFFA0];
	[tilespmem:s3+$0x110] =	vst v3  }
0x11a: {  	[tilespmem:s3+$0xFFFFFEA0] =	vst v4;
	v3 =	vld [tilespmem:s17+$0x20]  }
0x11b: {  	v4 =	vld [tilespmem:s17+$0xA0];
	[tilespmem:s3+$0x1B0] =	vst v0  }
0x11c: {  	[tilespmem:s3+$0xFFFFFF20] =	vst v2;
	v6 =	vld [tilespmem:s17+$0x120]  }
0x11d: {  	[tilespmem:s3+$0xFFFFFE20] =	vst v5;
	v5 =	vld [tilespmem:s17+$0xFFFFFEB0]  }
0x11e: {  	v7 =	vld [tilespmem:s17+$0xFFFFFE30];
	[tilespmem:s3+$0xFFFFFFA0] =	vst v1  }
.Ltmp4:
0x11f: {  	v2 =	vld [tilespmem:s17+$0xFFFFFF30];
	[tilespmem:s3+$0x20] =	vst v3;
	(pc) =	sbr.rel @p2 .LBB2_7-.Ltmp4, $4  }
0x120: {  	v0 =	vld [tilespmem:s17+$0xFFFFFFB0];
	[tilespmem:s3+$0xA0] =	vst v4  }
0x121: {  	v1 =	vld [tilespmem:s17+$0x30];
	[tilespmem:s3+$0x120] =	vst v6  }
0x122: {  	[tilespmem:s3+$0xFFFFFEB0] =	vst v5;
	v3 =	vld [tilespmem:s17+$0xB0]  }
0x123: {  	[tilespmem:s3+$0xFFFFFE30] =	vst v7;
	v4 =	vld [tilespmem:s17+$0x130];
	s17 =	sadd.s32 $0x400, s17  }
0x124: {  	[tilespmem:s3+$0xFFFFFF30] =	vst v2;
	s6 =	sadd.s32 @!p1 $0x280, s19  }
0x125: {  	[tilespmem:s3+$0xFFFFFFB0] =	vst v0;
	s15 =	smulhi.u32 @!p1 $0x51EB851F, s6  }
0x126: {  	s17 =	sadd.s32 s19, s11;
	[tilespmem:s3+$0x30] =	vst v1  }
0x127: {  	s17 =	sshll.u32 s17, $0x4;
	[tilespmem:s3+$0xB0] =	vst v3;
	s15 =	sshrl.u32 @!p1 s15, $0x6  }
0x128: {  	s17 =	sadd.s32 s5, s17;
	[tilespmem:s3+$0x130] =	vst v4;
	s15 =	smul.u32 @!p1 $0xC8, s15  }
0x129: {  	[hbm4b:s17+s2] =	stream.linear.scatter [tilespmem:s21], [sflag:$0x5], $0x4000, $0x38;
	[tilespmem:$0x1F080] =	vst v63  }
0x12a: {  	s3 =	ssub.s32 @!p1 s6, s15  }
0x12b: {  	s3 =	sshll.u32 @!p1 s3, $0x7  }
0x12c: {  	s15 =	simm.s32 @!p1 $0xB080;
	s3 =	sadd.s32 @!p1 s3, s1  }
0x12d: {  	[tilespmem:s15], [sflag:$0x7] =	stream.linear.gather @!p1 [spmem:s3], $0x4000, $0x38;
	[tilespmem:$0x1F080] =	vst v63  }
0x12e: {  	s3 =	simm.s32 @!p1 $0x7  }
0x12f: {  	_ =	swait.ge @!p1 [sflag:s3], $0x4000  }
0x130: {  	[sflag:s3] =	ssyncset.done @!p1 $0x0  }
0x131: {  	[sflag:s3] =	ssyncadd.s32 @!p1 $0xFFFFC000;
	s3 =	simm.s32 @!p1 $0x80  }
0x132: {  	[tilespmem:s15], [sflag:$0x2] =	stream.indirect.gather.add.f32 @!p1 [hbm:s4], $0x80, s6, s3, $0xb8;
	[tilespmem:$0x1F080] =	vst v63  }
0x133: {  	_ =	swait.ge [sflag:s28], $0x4000  }
0x134: {  	[sflag:s28] =	ssyncset.done $0x0  }
0x135: {  	[sflag:s28] =	ssyncadd.s32 $0xFFFFC000  }
0x136: {  	_ =	swait.ge [sflag:s29], $0x4000  }
0x137: {  	[sflag:s29] =	ssyncset.done $0x0  }
0x138: {  	s17 =	simm.s32 $0x13280;
	[sflag:s29] =	ssyncadd.s32 $0xFFFFC000  }
0x139: {  	v0 =	vld [tilespmem:s17+$0x180]  }
0x13a: {  	v1 =	vld [tilespmem:s17+$0xFFFFFE80]  }
0x13b: {  	v2 =	vld [tilespmem:s17+$0xFFFFFF00]  }
0x13c: {  	v3 =	vld [tilespmem:s17+$0xFFFFFF80]  }
0x13d: {  	s3 =	simm.s32 $0x1B280;
	v4 =	vld [tilespmem:s17+$0x0]  }
0x13e: {  	v5 =	vld [tilespmem:s17+$0x80];
	[tilespmem:s3+$0x180] =	vst v0  }
0x13f: {  	[tilespmem:s3+$0xFFFFFE80] =	vst v1;
	v1 =	vld [tilespmem:s17+$0x100]  }
0x140: {  	[tilespmem:s3+$0xFFFFFF00] =	vst v2;
	v2 =	vld [tilespmem:s17+$0xFFFFFE00]  }
0x141: {  	[tilespmem:s3+$0xFFFFFF80] =	vst v3;
	v0 =	vld [tilespmem:s17+$0x190]  }
0x142: {  	[tilespmem:s3+$0x0] =	vst v4;
	v3 =	vld [tilespmem:s17+$0xFFFFFE90]  }
0x143: {  	[tilespmem:s3+$0x80] =	vst v5;
	v4 =	vld [tilespmem:s17+$0xFFFFFF10]  }
0x144: {  	v5 =	vld [tilespmem:s17+$0xFFFFFF90];
	[tilespmem:s3+$0x100] =	vst v1  }
0x145: {  	[tilespmem:s3+$0xFFFFFE00] =	vst v2;
	v1 =	vld [tilespmem:s17+$0x10]  }
0x146: {  	[tilespmem:s3+$0x190] =	vst v0;
	v2 =	vld [tilespmem:s17+$0xFFFFFE10]  }
0x147: {  	[tilespmem:s3+$0xFFFFFE90] =	vst v3;
	v3 =	vld [tilespmem:s17+$0x90]  }
0x148: {  	[tilespmem:s3+$0xFFFFFF10] =	vst v4;
	v4 =	vld [tilespmem:s17+$0x110]  }
0x149: {  	[tilespmem:s3+$0xFFFFFF90] =	vst v5;
	v0 =	vld [tilespmem:s17+$0x1A0]  }
0x14a: {  	v5 =	vld [tilespmem:s17+$0xFFFFFEA0];
	[tilespmem:s3+$0x10] =	vst v1  }
0x14b: {  	v1 =	vld [tilespmem:s17+$0xFFFFFF20];
	[tilespmem:s3+$0xFFFFFE10] =	vst v2  }
0x14c: {  	[tilespmem:s3+$0x90] =	vst v3;
	v3 =	vld [tilespmem:s17+$0xFFFFFFA0]  }
0x14d: {  	[tilespmem:s3+$0x110] =	vst v4;
	v2 =	vld [tilespmem:s17+$0xFFFFFE20]  }
0x14e: {  	v4 =	vld [tilespmem:s17+$0x20];
	[tilespmem:s3+$0x1A0] =	vst v0  }
0x14f: {  	[tilespmem:s3+$0xFFFFFEA0] =	vst v5;
	v0 =	vld [tilespmem:s17+$0x1B0]  }
0x150: {  	v5 =	vld [tilespmem:s17+$0xA0];
	[tilespmem:s3+$0xFFFFFF20] =	vst v1  }
0x151: {  	v6 =	vld [tilespmem:s17+$0x120];
	[tilespmem:s3+$0xFFFFFFA0] =	vst v3  }
0x152: {  	v7 =	vld [tilespmem:s17+$0xFFFFFEB0];
	[tilespmem:s3+$0xFFFFFE20] =	vst v2  }
0x153: {  	[tilespmem:s3+$0x20] =	vst v4;
	v8 =	vld [tilespmem:s17+$0xFFFFFE30]  }
0x154: {  	[tilespmem:s3+$0x1B0] =	vst v0;
	v0 =	vld [tilespmem:s17+$0xFFFFFF30]  }
0x155: {  	v1 =	vld [tilespmem:s17+$0xFFFFFFB0];
	[tilespmem:s3+$0xA0] =	vst v5  }
0x156: {  	v2 =	vld [tilespmem:s17+$0x30];
	[tilespmem:s3+$0x120] =	vst v6  }
0x157: {  	[tilespmem:s3+$0xFFFFFEB0] =	vst v7;
	v3 =	vld [tilespmem:s17+$0xB0]  }
0x158: {  	s15 =	simm.s32 $0x0;
	v4 =	vld [tilespmem:s17+$0x130];
	s17 =	simm.s32 $0x13680;
	[tilespmem:s3+$0xFFFFFE30] =	vst v8  }
.LBB2_9:
0x159: {  	v5 =	vld [tilespmem:s17+$0x180];
	s15 =	sadd.s32 $0x8, s15;
	[tilespmem:s3+$0xFFFFFF30] =	vst v0  }
0x15a: {  	v0 =	vld [tilespmem:s17+$0xFFFFFE80];
	p2 =	slt.u32 s15, $0x78;
	[tilespmem:s3+$0xFFFFFFB0] =	vst v1  }
0x15b: {  	v1 =	vld [tilespmem:s17+$0xFFFFFF00];
	[tilespmem:s3+$0x30] =	vst v2  }
0x15c: {  	v2 =	vld [tilespmem:s17+$0xFFFFFF80];
	[tilespmem:s3+$0xB0] =	vst v3  }
0x15d: {  	v3 =	vld [tilespmem:s17+$0x0];
	[tilespmem:s3+$0x130] =	vst v4;
	s3 =	sadd.s32 $0x400, s3  }
0x15e: {  	v4 =	vld [tilespmem:s17+$0x80];
	[tilespmem:s3+$0x180] =	vst v5  }
0x15f: {  	[tilespmem:s3+$0xFFFFFE80] =	vst v0;
	v0 =	vld [tilespmem:s17+$0x190]  }
0x160: {  	[tilespmem:s3+$0xFFFFFF00] =	vst v1;
	v1 =	vld [tilespmem:s17+$0x100]  }
0x161: {  	v5 =	vld [tilespmem:s17+$0xFFFFFE00];
	[tilespmem:s3+$0xFFFFFF80] =	vst v2  }
0x162: {  	v2 =	vld [tilespmem:s17+$0xFFFFFE90];
	[tilespmem:s3+$0x0] =	vst v3  }
0x163: {  	v3 =	vld [tilespmem:s17+$0xFFFFFF10];
	[tilespmem:s3+$0x80] =	vst v4  }
0x164: {  	v4 =	vld [tilespmem:s17+$0xFFFFFF90];
	[tilespmem:s3+$0x190] =	vst v0  }
0x165: {  	[tilespmem:s3+$0x100] =	vst v1;
	v0 =	vld [tilespmem:s17+$0x1A0]  }
0x166: {  	[tilespmem:s3+$0xFFFFFE00] =	vst v5;
	v1 =	vld [tilespmem:s17+$0x10]  }
0x167: {  	v5 =	vld [tilespmem:s17+$0xFFFFFE10];
	[tilespmem:s3+$0xFFFFFE90] =	vst v2  }
0x168: {  	[tilespmem:s3+$0xFFFFFF10] =	vst v3;
	v2 =	vld [tilespmem:s17+$0x90]  }
0x169: {  	[tilespmem:s3+$0xFFFFFF90] =	vst v4;
	v3 =	vld [tilespmem:s17+$0x110]  }
0x16a: {  	v4 =	vld [tilespmem:s17+$0xFFFFFEA0];
	[tilespmem:s3+$0x1A0] =	vst v0  }
0x16b: {  	[tilespmem:s3+$0x10] =	vst v1;
	v0 =	vld [tilespmem:s17+$0x1B0]  }
0x16c: {  	[tilespmem:s3+$0xFFFFFE10] =	vst v5;
	v1 =	vld [tilespmem:s17+$0xFFFFFF20]  }
0x16d: {  	v5 =	vld [tilespmem:s17+$0xFFFFFE20];
	[tilespmem:s3+$0x90] =	vst v2  }
0x16e: {  	v2 =	vld [tilespmem:s17+$0xFFFFFFA0];
	[tilespmem:s3+$0x110] =	vst v3  }
0x16f: {  	[tilespmem:s3+$0xFFFFFEA0] =	vst v4;
	v3 =	vld [tilespmem:s17+$0x20]  }
0x170: {  	v4 =	vld [tilespmem:s17+$0xA0];
	[tilespmem:s3+$0x1B0] =	vst v0  }
0x171: {  	[tilespmem:s3+$0xFFFFFF20] =	vst v1;
	v6 =	vld [tilespmem:s17+$0x120]  }
0x172: {  	[tilespmem:s3+$0xFFFFFE20] =	vst v5;
	v5 =	vld [tilespmem:s17+$0xFFFFFEB0]  }
0x173: {  	v7 =	vld [tilespmem:s17+$0xFFFFFE30];
	[tilespmem:s3+$0xFFFFFFA0] =	vst v2  }
.Ltmp5:
0x174: {  	v0 =	vld [tilespmem:s17+$0xFFFFFF30];
	[tilespmem:s3+$0x20] =	vst v3;
	(pc) =	sbr.rel @p2 .LBB2_9-.Ltmp5, $4  }
0x175: {  	v1 =	vld [tilespmem:s17+$0xFFFFFFB0];
	[tilespmem:s3+$0xA0] =	vst v4  }
0x176: {  	v2 =	vld [tilespmem:s17+$0x30];
	[tilespmem:s3+$0x120] =	vst v6  }
0x177: {  	[tilespmem:s3+$0xFFFFFEB0] =	vst v5;
	v3 =	vld [tilespmem:s17+$0xB0]  }
0x178: {  	[tilespmem:s3+$0xFFFFFE30] =	vst v7;
	v4 =	vld [tilespmem:s17+$0x130];
	s17 =	sadd.s32 $0x400, s17  }
0x179: {  	[tilespmem:s3+$0xFFFFFF30] =	vst v0  }
.Ltmp6:
0x17a: {  	s0 =	sshll.u32 s0, $0xE;
	[tilespmem:s3+$0xFFFFFFB0] =	vst v1;
	(pc) =	sbr.rel @p1 .LBB2_12-.Ltmp6, $4  }
0x17b: {  	s0 =	sadd.s32 s9, s0;
	[tilespmem:s3+$0x30] =	vst v2  }
0x17c: {  	s0 =	sshrl.u32 s0, $0x3;
	[tilespmem:s3+$0xB0] =	vst v3  }
0x17d: {  	s0 =	sadd.s32 s5, s0;
	[tilespmem:s3+$0x130] =	vst v4  }
0x17e: {  	[hbm4b:s0+s2] =	stream.linear.scatter [tilespmem:s24], [sflag:$0x6], $0x4000, $0x38;
	[tilespmem:$0x1F080] =	vst v63  }
0x17f: {  	s0 =	sadd.s32 $0x300, s19  }
0x180: {  	s3 =	smulhi.u32 $0x51EB851F, s0;
	_ =	sdelay $0x1  }
0x181: {  	s3 =	sshrl.u32 s3, $0x6  }
0x182: {  	s3 =	smul.u32 $0xC8, s3;
	_ =	sdelay $0x1  }
0x183: {  	s3 =	ssub.s32 s0, s3  }
0x184: {  	s3 =	sshll.u32 s3, $0x7  }
0x185: {  	s3 =	sadd.s32 s3, s1  }
0x186: {  	[tilespmem:s18], [sflag:$0x7] =	stream.linear.gather [spmem:s3], $0x4000, $0x38;
	[tilespmem:$0x1F080] =	vst v63  }
.Ltmp7:
0x187: {  	_ = 	snop;
	(pc) =	sbr.rel .LBB2_2-.Ltmp7, $4  }
0x188: {  	_ =	swait.ge [sflag:s13], $0x4000  }
0x189: {  	[sflag:s13] =	ssyncset.done $0x0  }
0x18a: {  	s31 =	sadd.s32 $0x1, s31;
	[sflag:s13] =	ssyncadd.s32 $0xFFFFC000  }
0x18b: {  	[tilespmem:s18], [sflag:$0x3] =	stream.indirect.gather.add.f32 [hbm:s4], $0x80, s0, s16, $0xb8;
	[tilespmem:$0x1F080] =	vst v63  }
.LBB2_13:
0x18c: {  	_ =	sfence.sel $0x180000  }
0x18d: {  	[bflag:$0x0] =	sbarrier.arrive $0xFFFF  }
0x18e: {  	_ =	strace $0x90000047  }
0x18f: {  	[bflag:$0x2] =	sbarrier.arrive $0xFFFF  }
0x190: {  	s0 =	rddreg [dreg:$0x2]  }
0x191: {  	s0 =	sadd.s32 @!p0 $0x100000, s0  }
0x192: {  	[sflag:s0] =	ssyncadd.tile.s32 @!p0 $0x1;
	_ =	shalt  }
.Lfunc_end2:
_tile_overlayer_lowered:
.L_overlay_start_2:
0x193: {  	(tag) =	ssettag $0x2  }
0x194: {  	s0 =	rddreg [dreg:$0x0];
	s2 =	stileid.u32  }
0x195: {  	s1 =	rddreg [dreg:$0x1];
	p0 =	sne.s32 s2, $0x0  }
0x196: {  	s3 =	rddreg [dreg:$0x2];
	[bflag:$0x3] =	sbarrier.arrive $0xFFFF;
	s2 =	simm.s32 @!p0 $0x1C07  }
0x197: {  	[timem:s3], [sflag:s2] =	dma.local @!p0 [hbm:s0], s1  }
0x198: {  	s0 =	simm.s32 @!p0 $0x7  }
0x199: {  	_ =	swait.ge @!p0 [sflag:s0], s1  }
0x19a: {  	s1 =	ssub.s32 @!p0 $0x0, s1;
	[sflag:s0] =	ssyncset.done @!p0 $0x0  }
0x19b: {  	[sflag:s0] =	ssyncadd.s32 @!p0 s1  }
0x19c: {  	[bflag:$0x3] =	sbarrier.arrive $0xFFFF  }
0x19d: {  	_ =	shalt  }

// kernel: sparse-core-data-format-call.cloned.1.call-start
scs
called_computation_lowered:
.L_overlay_start_0:
0x0: {  	s2 =	sld [smem:$0x3FD9]  }
0x1: {  	s3 =	sld [smem:$0x3FFE];
	_ =	sdelay $0x1  }
0x2: {  	s1 =	srdreg.scid  }
0x3: {  	s0 =	sand.u32 $0x1, s1  }
0x4: {  	s18 =	sshll.u32 s0, $0xA;
	s2 =	sadd.s32 s3, s2  }
0x5: {  	s2 =	sadd.s32 s2, s18  }
0x6: {  	[smem:$0x3FC6] =	sst s2  }
0x7: {  	_ = 	snop  }
0x8: {  	s2 =	sld [smem:$0x3FD0];
	(tm) =	ssettm $0x1  }
0x9: {  	s19 =	sld [smem:$0x3FFB];
	_ =	sdelay $0x3  }
0xa: {  	_ =	strace s19  }
0xb: {  	s3 =	sld [smem:$0x3FFC];
	_ =	sdelay $0x3  }
0xc: {  	_ =	strace s3  }
0xd: {  	s3 =	sld [smem:$0x3FFD];
	_ =	sdelay $0x3  }
0xe: {  	_ =	strace s3  }
0xf: {  	_ =	strace $0x8FFFFFFF  }
0x10: {  	s20 =	sld [smem:$0x3FDB];
	_ =	sdelay $0x1  }
0x11: {  	s4 =	simm.s32 $_scs_section_size  }
0x12: {  	s5 =	simm.s32 $_size__tile_overlayer_lowered;
	s6 =	simm.s32 $_tile_overlayer_lowered  }
0x13: {  	s23 =	simm.s32 $0x1BFF;
	s22 =	sshll.u32 s6, $0x1;
	s3 =	sadd.s32 s4, s20  }
0x14: {  	s7 =	simm.s32 $0x0;
	s21 =	sshll.u32 s5, $0x1;
	s5 =	sadd.s32 s22, s3  }
0x15: {  	[timem:s7], [sflag:s23] =	dma.local [hbm:s5], s21  }
0x16: {  	_ =	swait.ge [sflag:s23], s21  }
0x17: {  	s4 =	ssub.s32 $0x0, s21;
	[sflag:s23] =	ssyncset.done $0x0  }
0x18: {  	[sflag:s23] =	ssyncadd.s32 s4;
	_ =	sdelay $0x1  }
0x19: {  	s24 =	simm.s32 $0x1B8B  }
0x1a: {  	_ =	swait.ge [sflag:s24], $0x1  }
0x1b: {  	[sflag:s24] =	ssyncset.done $0x0  }
0x1c: {  	s26 =	simm.s32 $0x1B8E;
	s25 =	sld [smem:$0x3FFE];
	[sflag:s24] =	ssyncadd.s32 $0xFFFFFFFF  }
0x1d: {  	s27 =	simm.s32 $execute0_lowered;
	[smem:$0x3FD2] =	sst s26  }
0x1e: {  	s5 =	sshll.u32 s27, $0x1;
	_ =	strace $0x80000049;
	[dreg:$0x1] =	wrdreg $0xFFFFFFFF  }
0x1f: {  	s28 =	simm.s32 $_size_execute0_lowered;
	s3 =	sadd.s32 s3, s5;
	[dreg:$0x0] =	wrdreg $0x0  }
0x20: {  	s5 =	sshll.u32 s28, $0x1;
	[dreg:$0x2] =	wrdreg s3  }
0x21: {  	[dreg:$0x3] =	wrdreg s5  }
0x22: {  	[dreg:$0x4] =	wrdreg $0xC0  }
0x23: {  	_ =	task [dreg:s7], $0x5FFFF  }
0x24: {  	[dreg:$0x1] =	wrdreg $0xFFFFFFFF  }
0x25: {  	[dreg:$0x0] =	wrdreg $0x60  }
0x26: {  	[dreg:$0x2] =	wrdreg s25  }
0x27: {  	[dreg:$0x3] =	wrdreg s2  }
0x28: {  	[dreg:$0x4] =	wrdreg $0x9  }
0x29: {  	_ =	task.clear_ibuf [dreg:s7], $0x5FFFF;
	_ =	strace $0x90000049  }
0x2a: {  	s29 =	simm.s32 $0x9;
	_ =	strace $0x8000004B  }
0x2b: {  	_ =	swait.ge [sflag:s29], $0x1  }
0x2c: {  	[sflag:s29] =	ssyncadd.s32 $0xFFFFFFFF  }
0x2d: {  	_ =	strace $0x9000004B  }
0x2e: {  	_ =	sfence  }
0x2f: {  	s30 =	sld [smem:$0x0];
	_ =	sdelay $0x2  }
0x30: {  	s31 =	sshll.u32 s1, $0xD;
	s1 =	sshrl.u32 s1, $0x2  }
0x31: {  	s3 =	sand.u32 $0x4000, s31;
	s1 =	sadd.s32 s1, s30  }
0x32: {  	s0 =	sor.u32 s3, s0;
	s1 =	sshll.u32 s1, $0x11  }
0x33: {  	s0 =	sor.u32 s1, s0  }
0x34: {  	s0 =	sadd.s32 $0x8F2B, s0  }
0x35: {  	[sflag:s0] =	ssyncadd.remote.s32 $0x1  }
0x36: {  	_ =	sfence.sel $0xFFFF  }
0x37: {  	[dreg:$0x0] =	wrdreg $0xFFFFFFFF;
	(pc) =	sbr.abs _section_cstart, $3  }
0x38: {  	[dreg:$0x1] =	wrdreg $0xFFFFFFFF  }
0x39: {  	_ =	task.clear_ibuf [dreg:s7], $0x2FFFF;
	_ =	strace $0x9FFFFFFF  }
0x3a: {  	(tm) =	ssettm $0x7FFFFFFF  }
0x3b: {  	_ =	shalt  }
tec
execute0_lowered:
.L_overlay_start_1:
0x0: {  	(tag) =	ssettag $0x1  }
0x1: {  	s0 =	srdreg.scid  }
0x2: {  	s1 =	sshll.u32 s0, $0x4  }
0x3: {  	s0 =	stileid.u32;
	s1 =	sand.u32 $0x10, s1  }
0x4: {  	s1 =	sor.u32 s0, s1  }
0x5: {  	s6 =	rddreg [dreg:$0x0];
	s4 =	simm.s32 $0x1;
	s2 =	sshll.u32 s1, $0x7  }
0x6: {  	s7 =	simm.s32 $0x2;
	s12 =	simm.s32 $0x0;
	s1 =	ssub.s32 $0x1000, s2  }
0x7: {  	s8 =	simm.s32 $0x8000;
	s13 =	simm.s32 $0x0;
	s3 =	sand.u32 $0xF80, s1  }
0x8: {  	s9 =	simm.s32 $0x0;
	s5 =	sshrl.u32 s1, $0xC;
	p0 =	sne.s32 s3, $0x0  }
.Ltmp0:
0x9: {  	s1 =	rddreg [dreg:$0x2];
	s4 =	simm.s32 @!p0 $0x0;
	(pc) =	sbr.rel .LBB1_1-.Ltmp0, $4  }
0xa: {  	s11 =	simm.s32 $0x0;
	s3 =	rddreg [dreg:$0x1];
	s5 =	sadd.s32 s4, s5  }
0xb: {  	_ =	strace $0x8000004A;
	s4 =	simm.s32 $0x1;
	s5 =	smul.u32 $0xC8, s5  }
0xc: {  	s6 =	sadd.s32 $0x1A1C00, s6;
	s10 =	smov.u32 s2;
	[sflag:s4] =	ssyncpa.u1 $0x0  }
0xd: {  	p0 =	por $0x0, $0x0;
	[sflag:s7] =	ssyncpa.u1 $0x0;
	s7 =	sor.u32 $0x1, s5  }
.LBB1_4:
0xe: {  	s16 =	sshll.u32 s13, $0x3;
	s17 =	sand.u32 $0x78, s13  }
0xf: {  	s30 =	sand.u32 $0x7E00, s13;
	s12 =	sshll.u32 s12, $0xF;
	s16 =	sand.u32 $0xC00, s16  }
0x10: {  	[tilespmem:s15+$0x810 ss:$0x81] =	vst.msk $0xffff, v2;
	s31 =	sand.u32 $0x7, s13;
	s16 =	sor.u32 s17, s16;
	s17 =	sadd.s32 s3, s30  }
0x11: {  	[tilespmem:s15+$0x1020 ss:$0x81] =	vst.msk $0xffff, v0;
	s13 =	sshll.u32 s31, $0x12;
	s12 =	sadd.s32 s12, s17;
	s16 =	sshrl.u32 s16, $0x3  }
0x12: {  	[tilespmem:s15+$0x0 ss:$0x81] =	vst.msk $0xffff, v1;
	s13 =	sor.u32 $0x400, s13;
	s12 =	sadd.s32 s16, s12  }
0x13: {  	[hbm4b:s12+s13] =	stream.strided.scatter [tilespmem:s14], [sflag:$0x2], $0x2000, s8, s13, $0x20;
	[tilespmem:$0x8080] =	vst v63  }
.LBB1_5:
0x14: {  	s14 =	sadd.s32 $0x1, s9  }
0x15: {  	s12 =	sadd.s32 $0x1000, s10;
	s16 =	smov.u32 s10;
	p2 =	sgt.s32 s14, $0xC7  }
0x16: {  	s16 =	smov.u32 @p2 s12  }
0x17: {  	s14 =	simm.s32 @p2 $0x0;
	p2 =	sgt.s32 s16, $0xFFF  }
0x18: {  	s16 =	smov.u32 @p2 s2;
	p2 =	sne.s32 s11, s7  }
.Ltmp1:
0x19: {  	p1 =	slt.u32 s11, $0x2;
	(pc) =	sbr.rel @!p2 .LBB1_6-.Ltmp1, $4  }
0x1a: {  	s15 =	simm.s32 @!p1 $0x2  }
0x1b: {  	s13 =	smov.u32 s10;
	p0 =	por !p0, !p0;
	_ =	swait.ge @!p1 [sflag:s15], $0x2000  }
0x1c: {  	s12 =	smov.u32 s9;
	[sflag:s15] =	ssyncset.done @!p1 $0x0;
	s9 =	smov.u32 s14  }
0x1d: {  	s11 =	sadd.s32 $0x1, s11;
	[sflag:s15] =	ssyncadd.s32 @!p1 $0xFFFFE000;
	s10 =	smov.u32 s16  }
.LBB1_1:
0x1e: {  	p1 =	sge.u32 s11, s5  }
0x1f: {  	s14 =	sand.u32 @!p1 $0x1FFFFFF, s9  }
0x20: {  	s15 =	smulhi.u32 @!p1 $0x147AE15, s14;
	_ =	sdelay $0x1  }
0x21: {  	s15 =	smul.u32 @!p1 $0xC8, s15  }
0x22: {  	s16 =	sxor.u32 @!p1 $0xFFFFFFFF, s11;
	s17 =	smul.u32 @!p1 $0xC80, s10  }
0x23: {  	s31 =	sadd.s32 $0xFFFFFFFF, s11;
	s16 =	sshll.u32 @!p1 s16, $0xD;
	s14 =	ssub.s32 @!p1 s14, s15  }
0x24: {  	s15 =	sand.u32 @!p1 $0x2000, s16;
	s16 =	sadd.s32 @!p1 s6, s17;
	s14 =	sshll.u32 @!p1 s14, $0x4  }
0x25: {  	s17 =	simm.s32 @!p1 $0x6400;
	s14 =	sadd.s32 @!p1 s14, s16;
	s16 =	simm.s32 @!p1 $0x40  }
0x26: {  	[tilespmem:s15], [sflag:$0x1] =	stream.strided.gather @!p1 [hbm4b:s14+s16], $0x2000, s17, s16, $0x38;
	[tilespmem:$0x8080] =	vst v63  }
0x27: {  	p1 =	sge.u32 s31, s5  }
.Ltmp2:
0x28: {  	_ = 	snop;
	(pc) =	sbr.rel @p1 .LBB1_5-.Ltmp2, $1  }
0x29: {  	_ =	sdelay $0x3  }
0x2a: {  	s14 =	simm.s32 $0x1  }
0x2b: {  	_ =	swait.ge [sflag:s4], $0x2000;
	s14 =	simm.s32 @!p0 $0x0  }
0x2c: {  	[sflag:s4] =	ssyncset.done $0x0;
	s15 =	sshll.u32 s14, $0xD  }
0x2d: {  	[sflag:s4] =	ssyncadd.s32 $0xFFFFE000;
	s18 =	sor.u32 $0x20, s15  }
0x2e: {  	s14 =	smul.u32 $0x8100, s14;
	v3 =	vld [tilespmem:s18+$0x10]  }
0x2f: {  	s30 =	sand.u32 $0x1, s11;
	v2 =	vld [tilespmem:s18+$0xFFFFFFF0]  }
0x30: {  	s15 =	smul.u32 $0x8100, s30;
	s14 =	sshrl.u32 s14, $0x2;
	v0 =	vld [tilespmem:s18+$0x0]  }
0x31: {  	v1 =	vld [tilespmem:s18+$0xFFFFFFE0];
	s16 =	sor.u32 $0x4000, s14  }
0x32: {  	s31 =	sshrl.u32 s15, $0x2;
	s15 =	sadd.s32 $0x0, s16  }
0x33: {  	s17 =	simm.s32 $0x4;
	s18 =	sadd.s32 $0x40, s18;
	s14 =	sor.u32 $0x4000, s31;
	[tilespmem:s15+$0x1830 ss:$0x81] =	vst.msk $0xffff, v3  }
.LBB1_3:
0x34: {  	v3 =	vld [tilespmem:s18+$0x10];
	p1 =	sne.s32 s17, $0x1FC;
	[tilespmem:s15+$0x810 ss:$0x81] =	vst.msk $0xffff, v2;
	s19 =	smov.u32 s17;
	s17 =	sadd.s32 $0x4, s17  }
.Ltmp3:
0x35: {  	v2 =	vld [tilespmem:s18+$0xFFFFFFF0];
	[tilespmem:s15+$0x1020 ss:$0x81] =	vst.msk $0xffff, v0;
	(pc) =	sbr.rel @p1 .LBB1_3-.Ltmp3, $4  }
0x36: {  	v0 =	vld [tilespmem:s18+$0x0];
	[tilespmem:s15+$0x0 ss:$0x81] =	vst.msk $0xffff, v1  }
0x37: {  	s15 =	sshra.s32 s19, $0x2;
	v1 =	vld [tilespmem:s18+$0xFFFFFFE0]  }
0x38: {  	s15 =	sadd.s32 s15, s16  }
0x39: {  	s18 =	sadd.s32 $0x40, s18;
	[tilespmem:s15+$0x1830 ss:$0x81] =	vst.msk $0xffff, v3  }
.Ltmp4:
0x3a: {  	_ = 	snop;
	(pc) =	sbr.rel .LBB1_4-.Ltmp4, $1  }
0x3b: {  	_ =	sdelay $0x3  }
.LBB1_6:
0x3c: {  	_ =	sfence.sel $0x180000  }
0x3d: {  	s2 =	simm.s32 $0x1;
	[bflag:$0x0] =	sbarrier.arrive $0xFFFF  }
0x3e: {  	s31 =	simm.s32 $0x2;
	[sflag:s2] =	ssyncpa.u1 $0x1  }
0x3f: {  	[sflag:s31] =	ssyncpa.u1 $0x1  }
0x40: {  	p0 =	sne.s32 s0, $0x0;
	_ =	strace $0x9000004A  }
0x41: {  	s0 =	sadd.s32 @!p0 $0x100000, s1;
	[bflag:$0x2] =	sbarrier.arrive $0xFFFF  }
0x42: {  	[sflag:s0] =	ssyncadd.tile.s32 @!p0 $0x1;
	_ =	shalt  }
.Lfunc_end1:
_tile_overlayer_lowered:
.L_overlay_start_2:
0x43: {  	(tag) =	ssettag $0x2  }
0x44: {  	s0 =	rddreg [dreg:$0x0];
	s2 =	stileid.u32  }
0x45: {  	s1 =	rddreg [dreg:$0x1];
	p0 =	sne.s32 s2, $0x0  }
0x46: {  	s3 =	rddreg [dreg:$0x2];
	[bflag:$0x3] =	sbarrier.arrive $0xFFFF;
	s2 =	simm.s32 @!p0 $0x1C01  }
0x47: {  	[timem:s3], [sflag:s2] =	dma.local @!p0 [hbm:s0], s1  }
0x48: {  	s0 =	simm.s32 @!p0 $0x1  }
0x49: {  	_ =	swait.ge @!p0 [sflag:s0], s1  }
0x4a: {  	s1 =	ssub.s32 @!p0 $0x0, s1;
	[sflag:s0] =	ssyncset.done @!p0 $0x0  }
0x4b: {  	[sflag:s0] =	ssyncadd.s32 @!p0 s1  }
0x4c: {  	[bflag:$0x3] =	sbarrier.arrive $0xFFFF  }
0x4d: {  	_ =	shalt  }

</sc_bundles>
